<compile_context>
chip_gen: v7x
topology: tpu7x:2x2x1
jax: 0.10.2.dev20260603
libtpu: 0.0.44.dev20260713+nightly
codegen_flags: <defaults>
</compile_context>

<pallas_src>
import jax
import jax.numpy as jnp
from jax import lax
from jax.experimental import pallas as pl
from jax.experimental.pallas import tpu as pltpu
from jax.experimental.pallas import tpu_sc as plsc

_NC = 2
_NS = 16
_NW = _NC * _NS
_BI = 1024
_TT = 512


def _sc_gather(indices, table, num_indices, dim, hist):
    span = num_indices // _NW
    nblocks = span // _BI
    npairs = nblocks // 2
    pk = 128 // dim
    nb = num_indices // hist
    nq = nb // pk
    qb = _BI // pk

    mesh = plsc.VectorSubcoreMesh(core_axis_name="c", subcore_axis_name="s")

    @pl.kernel(
        out_type=jax.ShapeDtypeStruct((num_indices, dim), table.dtype),
        mesh=mesh,
        compiler_params=pltpu.CompilerParams(
            use_tc_tiling_on_sc=False, needs_layout_passes=False
        ),
        scratch_types=[
            pltpu.VMEM((_BI,), jnp.int32),
            pltpu.VMEM((_BI,), jnp.int32),
            pltpu.VMEM((_BI,), jnp.int32),
            pltpu.VMEM((_BI,), jnp.int32),
            pltpu.VMEM((_BI, dim), table.dtype),
            pltpu.VMEM((_BI, dim), table.dtype),
            pltpu.SemaphoreType.DMA,
            pltpu.SemaphoreType.DMA,
            pltpu.SemaphoreType.DMA,
            pltpu.SemaphoreType.DMA,
            pltpu.SemaphoreType.DMA,
            pltpu.SemaphoreType.DMA,
        ],
    )
    def gather_kernel(idx_hbm, table_hbm, out_hbm,
                      idx_r0, idx_r1, idx_v0, idx_v1, rows_v0, rows_v1,
                      sem_i0, sem_i1, sem_g0, sem_g1, sem_s0, sem_s1):
        wid = lax.axis_index("s") * _NC + lax.axis_index("c")
        base = wid * span
        idx_r = (idx_r0, idx_r1)
        idx_v = (idx_v0, idx_v1)
        rows_v = (rows_v0, rows_v1)
        sem_i = (sem_i0, sem_i1)
        sem_g = (sem_g0, sem_g1)
        sem_s = (sem_s0, sem_s1)

        def issue_idx(g, b):
            j0 = base + jnp.minimum(g, nblocks - 1) * _BI
            t = j0 // nb
            rbase = pl.multiple_of(t * nb + (j0 % nb) // pk, qb)
            for i in range(pk):
                pltpu.async_copy(
                    idx_hbm.at[pl.ds(rbase + i * nq, qb)],
                    idx_r[b].at[pl.ds(i * qb, qb)],
                    sem_i[b],
                )

        def wait_idx(b):
            pltpu.make_async_copy(
                idx_hbm.at[pl.ds(base, _BI)], idx_r[b], sem_i[b]
            ).wait()

        shift = pk.bit_length() - 1

        def permute_idx(b):
            lanes = lax.iota(jnp.int32, 16)

            @pl.loop(0, _BI // 16)
            def _(k):
                j = lanes + k * 16
                src = (j & (pk - 1)) * qb + (j >> shift)
                idx_v[b][pl.ds(k * 16, 16)] = plsc.load_gather(
                    idx_r[b], [src]
                )

        def issue_gather(b):
            pltpu.async_copy(table_hbm.at[idx_v[b]], rows_v[b], sem_g[b])

        def drain_gather(b):
            pltpu.make_async_copy(
                table_hbm.at[pl.ds(0, _BI)], rows_v[b], sem_g[b]
            ).wait()

        def issue_store(g, b):
            off = base + g * _BI
            pltpu.async_copy(rows_v[b], out_hbm.at[pl.ds(off, _BI)], sem_s[b])

        def wait_store(b):
            pltpu.make_async_copy(
                rows_v[b], out_hbm.at[pl.ds(base, _BI)], sem_s[b]
            ).wait()

        issue_idx(0, 0)
        issue_idx(1, 1)
        wait_idx(0)
        permute_idx(0)
        issue_gather(0)
        wait_idx(1)
        permute_idx(1)
        issue_gather(1)
        drain_gather(0)
        issue_store(0, 0)
        issue_idx(2, 0)
        drain_gather(1)
        issue_store(1, 1)
        issue_idx(3, 1)

        @pl.loop(1, npairs)
        def _(i):
            g0 = 2 * i
            wait_idx(0)
            permute_idx(0)
            wait_store(0)
            issue_gather(0)
            wait_idx(1)
            permute_idx(1)
            wait_store(1)
            issue_gather(1)
            drain_gather(0)
            issue_store(g0, 0)
            issue_idx(g0 + 2, 0)
            drain_gather(1)
            issue_store(g0 + 1, 1)
            issue_idx(g0 + 3, 1)

        wait_idx(0)
        wait_idx(1)
        wait_store(0)
        wait_store(1)

    return gather_kernel(indices, table)


def _tc_transpose(rows128, hist, batch, dim):
    pack = 128 // dim
    rq = batch // pack
    nch = rq // _TT
    ntc = 2
    span_t = hist // ntc
    dt = rows128.dtype

    mesh = pltpu.create_tensorcore_mesh("core", num_cores=ntc)

    @pl.kernel(
        out_type=jax.ShapeDtypeStruct(
            (hist, dim, pack, rq // 128, 128), dt
        ),
        mesh=mesh,
        scratch_types=[
            pltpu.VMEM((rq, 128), dt),
            pltpu.VMEM((rq, 128), dt),
            pltpu.VMEM((128, rq // 128, 128), dt),
            pltpu.VMEM((128, rq // 128, 128), dt),
            pltpu.SemaphoreType.DMA,
            pltpu.SemaphoreType.DMA,
            pltpu.SemaphoreType.DMA,
            pltpu.SemaphoreType.DMA,
        ],
    )
    def tc_kernel(rows_hbm, out_hbm, in0, in1, w0, w1,
                  sem_i0, sem_i1, sem_o0, sem_o1):
        t0 = lax.axis_index("core") * span_t
        in_v = (in0, in1)
        w_v = (w0, w1)
        sem_i = (sem_i0, sem_i1)
        sem_o = (sem_o0, sem_o1)

        def issue_in(k, b):
            t = t0 + jnp.minimum(k, span_t - 1)
            pltpu.async_copy(rows_hbm.at[t], in_v[b], sem_i[b])

        def wait_in(b):
            pltpu.make_async_copy(rows_hbm.at[0], in_v[b], sem_i[b]).wait()

        def compute(b):
            for j in range(nch):
                w_v[b][:, pack * j:pack * (j + 1), :] = (
                    in_v[b][pl.ds(_TT * j, _TT), :].T.reshape(
                        128, pack, 128
                    )
                )

        def issue_outs(t, b):
            for i in range(pack):
                pltpu.async_copy(
                    w_v[b].at[pl.ds(dim * i, dim)],
                    out_hbm.at[t, :, i],
                    sem_o[b],
                )

        def wait_outs(b):
            for _ in range(pack):
                pltpu.make_async_copy(
                    w_v[b].at[pl.ds(0, dim)],
                    out_hbm.at[0, :, 0],
                    sem_o[b],
                ).wait()

        issue_in(0, 0)
        issue_in(1, 1)
        wait_in(0)
        compute(0)
        issue_outs(t0, 0)
        issue_in(2, 0)
        wait_in(1)
        compute(1)
        issue_outs(t0 + 1, 1)
        issue_in(3, 1)

        @pl.loop(1, span_t // 2)
        def _(k2):
            for b in range(2):
                k = 2 * k2 + b
                wait_in(b)
                wait_outs(b)
                compute(b)
                issue_outs(t0 + k, b)
                issue_in(k + 2, b)

        wait_in(0)
        wait_in(1)
        wait_outs(0)
        wait_outs(1)

    return tc_kernel(rows128)


def kernel(x, embedding):
    batch, hist = x.shape
    dim = embedding.shape[1]
    num_indices = batch * hist
    assert num_indices % (_NW * 2 * _BI) == 0

    idx_flat = x.T.reshape((num_indices,)).astype(jnp.int32)
    rows = _sc_gather(idx_flat, embedding, num_indices, dim, hist)
    rows128 = rows.reshape((hist, batch * dim // 128, 128))
    res = _tc_transpose(rows128, hist, batch, dim)
    return res.reshape((hist, dim, batch)).transpose(2, 0, 1)

# --- scband reference (transcript-rebuilt; emitter-appended) ---
"""Pipeline reference for scband-discrete-action-embedding-layer-23545010716690 (READ-ONLY COPY).

The authoritative reference and input builder live on the scoring server;
editing this copy changes nothing except your own understanding.
"""

import jax, jax.numpy as jnp
import numpy as np

VOCAB = 1000000
DIM = 32
BATCH = 16384
HIST = 200

def setup_inputs(seed: int = 0) -> dict:
    key = jax.random.key(seed)
    k_idx, k_emb = jax.random.split(key)
    x = jax.random.randint(k_idx, (BATCH, HIST), 0, VOCAB, dtype=jnp.int64 if jax.config.jax_enable_x64 else jnp.int32)
    # variance_scaling(scale=2.0, mode='fan_in', distribution='uniform') over (vocab_dim, dim)
    fan_in = VOCAB
    limit = jnp.sqrt(3.0 * 2.0 / fan_in)
    embedding = jax.random.uniform(k_emb, (VOCAB, DIM), dtype=jnp.float32, minval=-limit, maxval=limit)
    return {"x": x, "embedding": embedding}

def reference(x, embedding):
    # DiscreteActionEmbeddingLayer.__call__: self.embedding[x]
    return jnp.take(embedding, x, axis=0)

if __name__ == "__main__":
    import jax
    _d = setup_inputs()
    print(jax.jit(kernel)(*tuple(_d.values())))

</pallas_src>

<mosaic_0001>
#map = affine_map<(d0, d1) -> (0)>
#map1 = affine_map<(d0, d1) -> (0, 0)>
module attributes {stable_mosaic.version = 14 : i64} {
  func.func @gather_kernel(%arg0: i32, %arg1: i32, %arg2: memref<3276800xi32, #tpu.memory_space<hbm>>, %arg3: memref<1000000x32xf32, #tpu.memory_space<hbm>>, %arg4: memref<3276800x32xf32, #tpu.memory_space<hbm>>, %arg5: memref<1024xi32, #tpu.memory_space<vmem>>, %arg6: memref<1024xi32, #tpu.memory_space<vmem>>, %arg7: memref<1024xi32, #tpu.memory_space<vmem>>, %arg8: memref<1024xi32, #tpu.memory_space<vmem>>, %arg9: memref<1024x32xf32, #tpu.memory_space<vmem>>, %arg10: memref<1024x32xf32, #tpu.memory_space<vmem>>, %arg11: memref<!tpu.dma_semaphore, #tpu.memory_space<semaphore_mem>>, %arg12: memref<!tpu.dma_semaphore, #tpu.memory_space<semaphore_mem>>, %arg13: memref<!tpu.dma_semaphore, #tpu.memory_space<semaphore_mem>>, %arg14: memref<!tpu.dma_semaphore, #tpu.memory_space<semaphore_mem>>, %arg15: memref<!tpu.dma_semaphore, #tpu.memory_space<semaphore_mem>>, %arg16: memref<!tpu.dma_semaphore, #tpu.memory_space<semaphore_mem>>) attributes {dimension_semantics = [#tpu.dimension_semantics<core_parallel>, #tpu.dimension_semantics<subcore_parallel>], iteration_bounds = array<i64: 2, 16>, scalar_prefetch = 0 : i64, scratch_operands = 12 : i64, tpu.core_type = #tpu.core_type<sc_vector_subcore>, window_params = [{transform_indices = #map}, {transform_indices = #map1}, {transform_indices = #map1}]} {
    %mul3A = arith.constant 2 : i32
    %mul3A_0 = arith.muli %arg1, %mul3A : i32
    %add3A = arith.addi %mul3A_0, %arg0 : i32
    %mul3A_1 = arith.constant 102400 : i32
    %mul3A_2 = arith.muli %add3A, %mul3A_1 : i32
    %min3A = arith.constant 0 : i32
    %min3A_3 = arith.constant 99 : i32
    %min3A_4 = arith.minsi %min3A, %min3A_3 : i32
    %mul3A_5 = arith.constant 1024 : i32
    %mul3A_6 = arith.muli %min3A_4, %mul3A_5 : i32
    %add3A_7 = arith.addi %mul3A_2, %mul3A_6 : i32
    %jit3A = arith.constant 16384 : i32
    %div3A = arith.divsi %add3A_7, %jit3A : i32
    %sign3A = arith.constant 0 : i32
    %sign3A_8 = arith.cmpi sgt, %add3A_7, %sign3A : i32
    %sign3A_9 = arith.extui %sign3A_8 : i1 to i32
    %sign3A_10 = arith.constant 0 : i32
    %sign3A_11 = arith.cmpi slt, %add3A_7, %sign3A_10 : i32
    %sign3A_12 = arith.extui %sign3A_11 : i1 to i32
    %sign3A_13 = arith.subi %sign3A_9, %sign3A_12 : i32
    %sign3A_14 = arith.constant 0 : i32
    %sign3A_15 = arith.cmpi sgt, %jit3A, %sign3A_14 : i32
    %sign3A_16 = arith.extui %sign3A_15 : i1 to i32
    %sign3A_17 = arith.constant 0 : i32
    %sign3A_18 = arith.cmpi slt, %jit3A, %sign3A_17 : i32
    %sign3A_19 = arith.extui %sign3A_18 : i1 to i32
    %sign3A_20 = arith.subi %sign3A_16, %sign3A_19 : i32
    %ne3A = arith.cmpi ne, %sign3A_13, %sign3A_20 : i32
    %rem3A = arith.remsi %add3A_7, %jit3A : i32
    %ne3A_21 = arith.constant 0 : i32
    %ne3A_22 = arith.cmpi ne, %rem3A, %ne3A_21 : i32
    %and3A = arith.andi %ne3A, %ne3A_22 : i1
    %sub3A = arith.constant 1 : i32
    %sub3A_23 = arith.subi %div3A, %sub3A : i32
    %select_n3A = arith.select %and3A, %sub3A_23, %div3A : i32
    %mul3A_24 = arith.constant 16384 : i32
    %mul3A_25 = arith.muli %select_n3A, %mul3A_24 : i32
    %jit3A_26 = arith.constant 16384 : i32
    %eq3A = arith.constant 0 : i32
    %eq3A_27 = arith.cmpi eq, %jit3A_26, %eq3A : i32
    %jit3A_28 = arith.constant 1 : i32
    %select_n3A_29 = arith.select %eq3A_27, %jit3A_28, %jit3A_26 : i32
    %rem3A_30 = arith.remsi %add3A_7, %select_n3A_29 : i32
    %ne3A_31 = arith.constant 0 : i32
    %ne3A_32 = arith.cmpi ne, %rem3A_30, %ne3A_31 : i32
    %lt3A = arith.constant 0 : i32
    %lt3A_33 = arith.cmpi slt, %rem3A_30, %lt3A : i32
    %lt3A_34 = arith.constant 0 : i32
    %lt3A_35 = arith.cmpi slt, %select_n3A_29, %lt3A_34 : i32
    %ne3A_36 = arith.xori %lt3A_33, %lt3A_35 : i1
    %and3A_37 = arith.andi %ne3A_36, %ne3A_32 : i1
    %add3A_38 = arith.addi %rem3A_30, %select_n3A_29 : i32
    %select_n3A_39 = arith.select %and3A_37, %add3A_38, %rem3A_30 : i32
    %jit3A_40 = arith.constant 4 : i32
    %div3A_41 = arith.divsi %select_n3A_39, %jit3A_40 : i32
    %sign3A_42 = arith.constant 0 : i32
    %sign3A_43 = arith.cmpi sgt, %select_n3A_39, %sign3A_42 : i32
    %sign3A_44 = arith.extui %sign3A_43 : i1 to i32
    %sign3A_45 = arith.constant 0 : i32
    %sign3A_46 = arith.cmpi slt, %select_n3A_39, %sign3A_45 : i32
    %sign3A_47 = arith.extui %sign3A_46 : i1 to i32
    %sign3A_48 = arith.subi %sign3A_44, %sign3A_47 : i32
    %sign3A_49 = arith.constant 0 : i32
    %sign3A_50 = arith.cmpi sgt, %jit3A_40, %sign3A_49 : i32
    %sign3A_51 = arith.extui %sign3A_50 : i1 to i32
    %sign3A_52 = arith.constant 0 : i32
    %sign3A_53 = arith.cmpi slt, %jit3A_40, %sign3A_52 : i32
    %sign3A_54 = arith.extui %sign3A_53 : i1 to i32
    %sign3A_55 = arith.subi %sign3A_51, %sign3A_54 : i32
    %ne3A_56 = arith.cmpi ne, %sign3A_48, %sign3A_55 : i32
    %rem3A_57 = arith.remsi %select_n3A_39, %jit3A_40 : i32
    %ne3A_58 = arith.constant 0 : i32
    %ne3A_59 = arith.cmpi ne, %rem3A_57, %ne3A_58 : i32
    %and3A_60 = arith.andi %ne3A_56, %ne3A_59 : i1
    %sub3A_61 = arith.constant 1 : i32
    %sub3A_62 = arith.subi %div3A_41, %sub3A_61 : i32
    %select_n3A_63 = arith.select %and3A_60, %sub3A_62, %div3A_41 : i32
    %add3A_64 = arith.addi %mul3A_25, %select_n3A_63 : i32
    %multiple_of3A = tpu.assume_multiple %add3A_64, 256 : i32
    %add3A_65 = arith.constant 0 : i32
    %add3A_66 = arith.addi %multiple_of3A, %add3A_65 : i32
    %dma_start3A = arith.constant 0 : i32
    %dma_start3A_67 = tpu.memref_slice %arg5[%dma_start3A] : memref<1024xi32, #tpu.memory_space<vmem>> -> memref<256xi32, #tpu.memory_space<vmem>>
    %dma_start3A_68 = tpu.memref_slice %arg2[%add3A_66] : memref<3276800xi32, #tpu.memory_space<hbm>> -> memref<256xi32, #tpu.memory_space<hbm>>
    %dma_start3A_69 = arith.constant 0 : i32
    %dma_start3A_70 = tpu.memref_slice %arg5[%dma_start3A_69] : memref<1024xi32, #tpu.memory_space<vmem>> -> memref<256xi32, #tpu.memory_space<vmem>>
    %dma_start3A_71 = tpu.memref_slice %arg2[%add3A_66] : memref<3276800xi32, #tpu.memory_space<hbm>> -> memref<256xi32, #tpu.memory_space<hbm>>
    tpu.enqueue_dma source(%dma_start3A_71 : memref<256xi32, #tpu.memory_space<hbm>>) target(%dma_start3A_70 : memref<256xi32, #tpu.memory_space<vmem>>) target_semaphore(%arg11 : memref<!tpu.dma_semaphore, #tpu.memory_space<semaphore_mem>>)
    %add3A_72 = arith.constant 4096 : i32
    %add3A_73 = arith.addi %multiple_of3A, %add3A_72 : i32
    %dma_start3A_74 = arith.constant 256 : i32
    %dma_start3A_75 = tpu.memref_slice %arg5[%dma_start3A_74] : memref<1024xi32, #tpu.memory_space<vmem>> -> memref<256xi32, #tpu.memory_space<vmem>>
    %dma_start3A_76 = tpu.memref_slice %arg2[%add3A_73] : memref<3276800xi32, #tpu.memory_space<hbm>> -> memref<256xi32, #tpu.memory_space<hbm>>
    %dma_start3A_77 = arith.constant 256 : i32
    %dma_start3A_78 = tpu.memref_slice %arg5[%dma_start3A_77] : memref<1024xi32, #tpu.memory_space<vmem>> -> memref<256xi32, #tpu.memory_space<vmem>>
    %dma_start3A_79 = tpu.memref_slice %arg2[%add3A_73] : memref<3276800xi32, #tpu.memory_space<hbm>> -> memref<256xi32, #tpu.memory_space<hbm>>
    tpu.enqueue_dma source(%dma_start3A_79 : memref<256xi32, #tpu.memory_space<hbm>>) target(%dma_start3A_78 : memref<256xi32, #tpu.memory_space<vmem>>) target_semaphore(%arg11 : memref<!tpu.dma_semaphore, #tpu.memory_space<semaphore_mem>>)
    %add3A_80 = arith.constant 8192 : i32
    %add3A_81 = arith.addi %multiple_of3A, %add3A_80 : i32
    %dma_start3A_82 = arith.constant 512 : i32
    %dma_start3A_83 = tpu.memref_slice %arg5[%dma_start3A_82] : memref<1024xi32, #tpu.memory_space<vmem>> -> memref<256xi32, #tpu.memory_space<vmem>>
    %dma_start3A_84 = tpu.memref_slice %arg2[%add3A_81] : memref<3276800xi32, #tpu.memory_space<hbm>> -> memref<256xi32, #tpu.memory_space<hbm>>
    %dma_start3A_85 = arith.constant 512 : i32
    %dma_start3A_86 = tpu.memref_slice %arg5[%dma_start3A_85] : memref<1024xi32, #tpu.memory_space<vmem>> -> memref<256xi32, #tpu.memory_space<vmem>>
    %dma_start3A_87 = tpu.memref_slice %arg2[%add3A_81] : memref<3276800xi32, #tpu.memory_space<hbm>> -> memref<256xi32, #tpu.memory_space<hbm>>
    tpu.enqueue_dma source(%dma_start3A_87 : memref<256xi32, #tpu.memory_space<hbm>>) target(%dma_start3A_86 : memref<256xi32, #tpu.memory_space<vmem>>) target_semaphore(%arg11 : memref<!tpu.dma_semaphore, #tpu.memory_space<semaphore_mem>>)
    %add3A_88 = arith.constant 12288 : i32
    %add3A_89 = arith.addi %multiple_of3A, %add3A_88 : i32
    %dma_start3A_90 = arith.constant 768 : i32
    %dma_start3A_91 = tpu.memref_slice %arg5[%dma_start3A_90] : memref<1024xi32, #tpu.memory_space<vmem>> -> memref<256xi32, #tpu.memory_space<vmem>>
    %dma_start3A_92 = tpu.memref_slice %arg2[%add3A_89] : memref<3276800xi32, #tpu.memory_space<hbm>> -> memref<256xi32, #tpu.memory_space<hbm>>
    %dma_start3A_93 = arith.constant 768 : i32
    %dma_start3A_94 = tpu.memref_slice %arg5[%dma_start3A_93] : memref<1024xi32, #tpu.memory_space<vmem>> -> memref<256xi32, #tpu.memory_space<vmem>>
    %dma_start3A_95 = tpu.memref_slice %arg2[%add3A_89] : memref<3276800xi32, #tpu.memory_space<hbm>> -> memref<256xi32, #tpu.memory_space<hbm>>
    tpu.enqueue_dma source(%dma_start3A_95 : memref<256xi32, #tpu.memory_space<hbm>>) target(%dma_start3A_94 : memref<256xi32, #tpu.memory_space<vmem>>) target_semaphore(%arg11 : memref<!tpu.dma_semaphore, #tpu.memory_space<semaphore_mem>>)
    %min3A_96 = arith.constant 1 : i32
    %min3A_97 = arith.constant 99 : i32
    %min3A_98 = arith.minsi %min3A_96, %min3A_97 : i32
    %mul3A_99 = arith.constant 1024 : i32
    %mul3A_100 = arith.muli %min3A_98, %mul3A_99 : i32
    %add3A_101 = arith.addi %mul3A_2, %mul3A_100 : i32
    %jit3A_102 = arith.constant 16384 : i32
    %div3A_103 = arith.divsi %add3A_101, %jit3A_102 : i32
    %sign3A_104 = arith.constant 0 : i32
    %sign3A_105 = arith.cmpi sgt, %add3A_101, %sign3A_104 : i32
    %sign3A_106 = arith.extui %sign3A_105 : i1 to i32
    %sign3A_107 = arith.constant 0 : i32
    %sign3A_108 = arith.cmpi slt, %add3A_101, %sign3A_107 : i32
    %sign3A_109 = arith.extui %sign3A_108 : i1 to i32
    %sign3A_110 = arith.subi %sign3A_106, %sign3A_109 : i32
    %sign3A_111 = arith.constant 0 : i32
    %sign3A_112 = arith.cmpi sgt, %jit3A_102, %sign3A_111 : i32
    %sign3A_113 = arith.extui %sign3A_112 : i1 to i32
    %sign3A_114 = arith.constant 0 : i32
    %sign3A_115 = arith.cmpi slt, %jit3A_102, %sign3A_114 : i32
    %sign3A_116 = arith.extui %sign3A_115 : i1 to i32
    %sign3A_117 = arith.subi %sign3A_113, %sign3A_116 : i32
    %ne3A_118 = arith.cmpi ne, %sign3A_110, %sign3A_117 : i32
    %rem3A_119 = arith.remsi %add3A_101, %jit3A_102 : i32
    %ne3A_120 = arith.constant 0 : i32
    %ne3A_121 = arith.cmpi ne, %rem3A_119, %ne3A_120 : i32
    %and3A_122 = arith.andi %ne3A_118, %ne3A_121 : i1
    %sub3A_123 = arith.constant 1 : i32
    %sub3A_124 = arith.subi %div3A_103, %sub3A_123 : i32
    %select_n3A_125 = arith.select %and3A_122, %sub3A_124, %div3A_103 : i32
    %mul3A_126 = arith.constant 16384 : i32
    %mul3A_127 = arith.muli %select_n3A_125, %mul3A_126 : i32
    %jit3A_128 = arith.constant 16384 : i32
    %eq3A_129 = arith.constant 0 : i32
    %eq3A_130 = arith.cmpi eq, %jit3A_128, %eq3A_129 : i32
    %jit3A_131 = arith.constant 1 : i32
    %select_n3A_132 = arith.select %eq3A_130, %jit3A_131, %jit3A_128 : i32
    %rem3A_133 = arith.remsi %add3A_101, %select_n3A_132 : i32
    %ne3A_134 = arith.constant 0 : i32
    %ne3A_135 = arith.cmpi ne, %rem3A_133, %ne3A_134 : i32
    %lt3A_136 = arith.constant 0 : i32
    %lt3A_137 = arith.cmpi slt, %rem3A_133, %lt3A_136 : i32
    %lt3A_138 = arith.constant 0 : i32
    %lt3A_139 = arith.cmpi slt, %select_n3A_132, %lt3A_138 : i32
    %ne3A_140 = arith.xori %lt3A_137, %lt3A_139 : i1
    %and3A_141 = arith.andi %ne3A_140, %ne3A_135 : i1
    %add3A_142 = arith.addi %rem3A_133, %select_n3A_132 : i32
    %select_n3A_143 = arith.select %and3A_141, %add3A_142, %rem3A_133 : i32
    %jit3A_144 = arith.constant 4 : i32
    %div3A_145 = arith.divsi %select_n3A_143, %jit3A_144 : i32
    %sign3A_146 = arith.constant 0 : i32
    %sign3A_147 = arith.cmpi sgt, %select_n3A_143, %sign3A_146 : i32
    %sign3A_148 = arith.extui %sign3A_147 : i1 to i32
    %sign3A_149 = arith.constant 0 : i32
    %sign3A_150 = arith.cmpi slt, %select_n3A_143, %sign3A_149 : i32
    %sign3A_151 = arith.extui %sign3A_150 : i1 to i32
    %sign3A_152 = arith.subi %sign3A_148, %sign3A_151 : i32
    %sign3A_153 = arith.constant 0 : i32
    %sign3A_154 = arith.cmpi sgt, %jit3A_144, %sign3A_153 : i32
    %sign3A_155 = arith.extui %sign3A_154 : i1 to i32
    %sign3A_156 = arith.constant 0 : i32
    %sign3A_157 = arith.cmpi slt, %jit3A_144, %sign3A_156 : i32
    %sign3A_158 = arith.extui %sign3A_157 : i1 to i32
    %sign3A_159 = arith.subi %sign3A_155, %sign3A_158 : i32
    %ne3A_160 = arith.cmpi ne, %sign3A_152, %sign3A_159 : i32
    %rem3A_161 = arith.remsi %select_n3A_143, %jit3A_144 : i32
    %ne3A_162 = arith.constant 0 : i32
    %ne3A_163 = arith.cmpi ne, %rem3A_161, %ne3A_162 : i32
    %and3A_164 = arith.andi %ne3A_160, %ne3A_163 : i1
    %sub3A_165 = arith.constant 1 : i32
    %sub3A_166 = arith.subi %div3A_145, %sub3A_165 : i32
    %select_n3A_167 = arith.select %and3A_164, %sub3A_166, %div3A_145 : i32
    %add3A_168 = arith.addi %mul3A_127, %select_n3A_167 : i32
    %multiple_of3A_169 = tpu.assume_multiple %add3A_168, 256 : i32
    %add3A_170 = arith.constant 0 : i32
    %add3A_171 = arith.addi %multiple_of3A_169, %add3A_170 : i32
    %dma_start3A_172 = arith.constant 0 : i32
    %dma_start3A_173 = tpu.memref_slice %arg6[%dma_start3A_172] : memref<1024xi32, #tpu.memory_space<vmem>> -> memref<256xi32, #tpu.memory_space<vmem>>
    %dma_start3A_174 = tpu.memref_slice %arg2[%add3A_171] : memref<3276800xi32, #tpu.memory_space<hbm>> -> memref<256xi32, #tpu.memory_space<hbm>>
    %dma_start3A_175 = arith.constant 0 : i32
    %dma_start3A_176 = tpu.memref_slice %arg6[%dma_start3A_175] : memref<1024xi32, #tpu.memory_space<vmem>> -> memref<256xi32, #tpu.memory_space<vmem>>
    %dma_start3A_177 = tpu.memref_slice %arg2[%add3A_171] : memref<3276800xi32, #tpu.memory_space<hbm>> -> memref<256xi32, #tpu.memory_space<hbm>>
    tpu.enqueue_dma source(%dma_start3A_177 : memref<256xi32, #tpu.memory_space<hbm>>) target(%dma_start3A_176 : memref<256xi32, #tpu.memory_space<vmem>>) target_semaphore(%arg12 : memref<!tpu.dma_semaphore, #tpu.memory_space<semaphore_mem>>)
    %add3A_178 = arith.constant 4096 : i32
    %add3A_179 = arith.addi %multiple_of3A_169, %add3A_178 : i32
    %dma_start3A_180 = arith.constant 256 : i32
    %dma_start3A_181 = tpu.memref_slice %arg6[%dma_start3A_180] : memref<1024xi32, #tpu.memory_space<vmem>> -> memref<256xi32, #tpu.memory_space<vmem>>
    %dma_start3A_182 = tpu.memref_slice %arg2[%add3A_179] : memref<3276800xi32, #tpu.memory_space<hbm>> -> memref<256xi32, #tpu.memory_space<hbm>>
    %dma_start3A_183 = arith.constant 256 : i32
    %dma_start3A_184 = tpu.memref_slice %arg6[%dma_start3A_183] : memref<1024xi32, #tpu.memory_space<vmem>> -> memref<256xi32, #tpu.memory_space<vmem>>
    %dma_start3A_185 = tpu.memref_slice %arg2[%add3A_179] : memref<3276800xi32, #tpu.memory_space<hbm>> -> memref<256xi32, #tpu.memory_space<hbm>>
    tpu.enqueue_dma source(%dma_start3A_185 : memref<256xi32, #tpu.memory_space<hbm>>) target(%dma_start3A_184 : memref<256xi32, #tpu.memory_space<vmem>>) target_semaphore(%arg12 : memref<!tpu.dma_semaphore, #tpu.memory_space<semaphore_mem>>)
    %add3A_186 = arith.constant 8192 : i32
    %add3A_187 = arith.addi %multiple_of3A_169, %add3A_186 : i32
    %dma_start3A_188 = arith.constant 512 : i32
    %dma_start3A_189 = tpu.memref_slice %arg6[%dma_start3A_188] : memref<1024xi32, #tpu.memory_space<vmem>> -> memref<256xi32, #tpu.memory_space<vmem>>
    %dma_start3A_190 = tpu.memref_slice %arg2[%add3A_187] : memref<3276800xi32, #tpu.memory_space<hbm>> -> memref<256xi32, #tpu.memory_space<hbm>>
    %dma_start3A_191 = arith.constant 512 : i32
    %dma_start3A_192 = tpu.memref_slice %arg6[%dma_start3A_191] : memref<1024xi32, #tpu.memory_space<vmem>> -> memref<256xi32, #tpu.memory_space<vmem>>
    %dma_start3A_193 = tpu.memref_slice %arg2[%add3A_187] : memref<3276800xi32, #tpu.memory_space<hbm>> -> memref<256xi32, #tpu.memory_space<hbm>>
    tpu.enqueue_dma source(%dma_start3A_193 : memref<256xi32, #tpu.memory_space<hbm>>) target(%dma_start3A_192 : memref<256xi32, #tpu.memory_space<vmem>>) target_semaphore(%arg12 : memref<!tpu.dma_semaphore, #tpu.memory_space<semaphore_mem>>)
    %add3A_194 = arith.constant 12288 : i32
    %add3A_195 = arith.addi %multiple_of3A_169, %add3A_194 : i32
    %dma_start3A_196 = arith.constant 768 : i32
    %dma_start3A_197 = tpu.memref_slice %arg6[%dma_start3A_196] : memref<1024xi32, #tpu.memory_space<vmem>> -> memref<256xi32, #tpu.memory_space<vmem>>
    %dma_start3A_198 = tpu.memref_slice %arg2[%add3A_195] : memref<3276800xi32, #tpu.memory_space<hbm>> -> memref<256xi32, #tpu.memory_space<hbm>>
    %dma_start3A_199 = arith.constant 768 : i32
    %dma_start3A_200 = tpu.memref_slice %arg6[%dma_start3A_199] : memref<1024xi32, #tpu.memory_space<vmem>> -> memref<256xi32, #tpu.memory_space<vmem>>
    %dma_start3A_201 = tpu.memref_slice %arg2[%add3A_195] : memref<3276800xi32, #tpu.memory_space<hbm>> -> memref<256xi32, #tpu.memory_space<hbm>>
    tpu.enqueue_dma source(%dma_start3A_201 : memref<256xi32, #tpu.memory_space<hbm>>) target(%dma_start3A_200 : memref<256xi32, #tpu.memory_space<vmem>>) target_semaphore(%arg12 : memref<!tpu.dma_semaphore, #tpu.memory_space<semaphore_mem>>)
    %dma_wait3A = tpu.memref_slice %arg2[%mul3A_2] : memref<3276800xi32, #tpu.memory_space<hbm>> -> memref<1024xi32, #tpu.memory_space<hbm>>
    %dma_wait3A_202 = tpu.memref_slice %arg2[%mul3A_2] : memref<3276800xi32, #tpu.memory_space<hbm>> -> memref<1024xi32, #tpu.memory_space<hbm>>
    tpu.wait_dma2 semaphore(%arg11 : memref<!tpu.dma_semaphore, #tpu.memory_space<semaphore_mem>>) src(%dma_wait3A_202 : memref<1024xi32, #tpu.memory_space<hbm>>) dst(%arg5 : memref<1024xi32, #tpu.memory_space<vmem>>)
    %iota3A = tpu.iota {dimensions = array<i32: 0>} : vector<16xi32>
    %scan3A = arith.constant 0 : i32
    %scan3A_203 = arith.constant 64 : i32
    %scan3A_204 = arith.addi %scan3A, %scan3A_203 : i32
    %scan3A_205 = arith.constant 1 : i32
    scf.for %scan3A_474 = %scan3A to %scan3A_204 step %scan3A_205  : i32 {
      %mul3A_475 = arith.constant 1 : i32
      %mul3A_476 = arith.muli %scan3A_474, %mul3A_475 : i32
      %add3A_477 = arith.constant 0 : i32
      %add3A_478 = arith.addi %add3A_477, %mul3A_476 : i32
      %mul3A_479 = arith.constant 16 : i32
      %mul3A_480 = arith.muli %add3A_478, %mul3A_479 : i32
      %add3A_481 = vector.broadcast %mul3A_480 : i32 to vector<16xi32>
      %add3A_482 = arith.addi %iota3A, %add3A_481 : vector<16xi32>
      %and3A_483 = arith.constant 3 : i32
      %and3A_484 = vector.broadcast %and3A_483 : i32 to vector<16xi32>
      %and3A_485 = arith.andi %add3A_482, %and3A_484 : vector<16xi32>
      %mul3A_486 = arith.constant 256 : i32
      %mul3A_487 = vector.broadcast %mul3A_486 : i32 to vector<16xi32>
      %mul3A_488 = arith.muli %and3A_485, %mul3A_487 : vector<16xi32>
      %shift_right_arithmetic3A = arith.constant 2 : i32
      %shift_right_arithmetic3A_489 = vector.broadcast %shift_right_arithmetic3A : i32 to vector<16xi32>
      %shift_right_arithmetic3A_490 = arith.shrsi %add3A_482, %shift_right_arithmetic3A_489 : vector<16xi32>
      %add3A_491 = arith.addi %mul3A_488, %shift_right_arithmetic3A_490 : vector<16xi32>
      %gather3A = tpu.vector_load_idx %arg5[%add3A_491] : memref<1024xi32, #tpu.memory_space<vmem>>[vector<16xi32>], vector<16xi32>,
      %mul3A_492 = arith.constant 16 : i32
      %mul3A_493 = arith.muli %add3A_478, %mul3A_492 : i32
      %swap3A = arith.index_cast %mul3A_493 : i32 to index
      %swap3A_494 = tpu.vector_load %arg7[%swap3A] {strides = array<i32>} : memref<1024xi32, #tpu.memory_space<vmem>>, vector<16xi32>,
      tpu.vector_store %arg7[%swap3A], %gather3A {strides = array<i32>} : memref<1024xi32, #tpu.memory_space<vmem>>, vector<16xi32>,
    }
    %scan3A_206 = arith.constant 64 : i32
    %dma_start3A_207 = arith.constant 0 : i32
    %dma_start3A_208 = arith.constant 0 : i32
    %dma_start3A_209 = tpu.memref_slice %arg3[%dma_start3A_207, %dma_start3A_208] : memref<1000000x32xf32, #tpu.memory_space<hbm>> -> memref<1000000x32xf32, #tpu.memory_space<hbm>>
    tpu.enqueue_indirect_dma source(%dma_start3A_209 : memref<1000000x32xf32, #tpu.memory_space<hbm>>) target(%arg9 : memref<1024x32xf32, #tpu.memory_space<vmem>>) offsets(%arg7 : memref<1024xi32, #tpu.memory_space<vmem>>) semaphore(%arg13 : memref<!tpu.dma_semaphore, #tpu.memory_space<semaphore_mem>>)
    %dma_wait3A_210 = tpu.memref_slice %arg2[%mul3A_2] : memref<3276800xi32, #tpu.memory_space<hbm>> -> memref<1024xi32, #tpu.memory_space<hbm>>
    %dma_wait3A_211 = tpu.memref_slice %arg2[%mul3A_2] : memref<3276800xi32, #tpu.memory_space<hbm>> -> memref<1024xi32, #tpu.memory_space<hbm>>
    tpu.wait_dma2 semaphore(%arg12 : memref<!tpu.dma_semaphore, #tpu.memory_space<semaphore_mem>>) src(%dma_wait3A_211 : memref<1024xi32, #tpu.memory_space<hbm>>) dst(%arg6 : memref<1024xi32, #tpu.memory_space<vmem>>)
    %iota3A_212 = tpu.iota {dimensions = array<i32: 0>} : vector<16xi32>
    %scan3A_213 = arith.constant 0 : i32
    %scan3A_214 = arith.constant 64 : i32
    %scan3A_215 = arith.addi %scan3A_213, %scan3A_214 : i32
    %scan3A_216 = arith.constant 1 : i32
    scf.for %scan3A_474 = %scan3A_213 to %scan3A_215 step %scan3A_216  : i32 {
      %mul3A_475 = arith.constant 1 : i32
      %mul3A_476 = arith.muli %scan3A_474, %mul3A_475 : i32
      %add3A_477 = arith.constant 0 : i32
      %add3A_478 = arith.addi %add3A_477, %mul3A_476 : i32
      %mul3A_479 = arith.constant 16 : i32
      %mul3A_480 = arith.muli %add3A_478, %mul3A_479 : i32
      %add3A_481 = vector.broadcast %mul3A_480 : i32 to vector<16xi32>
      %add3A_482 = arith.addi %iota3A_212, %add3A_481 : vector<16xi32>
      %and3A_483 = arith.constant 3 : i32
      %and3A_484 = vector.broadcast %and3A_483 : i32 to vector<16xi32>
      %and3A_485 = arith.andi %add3A_482, %and3A_484 : vector<16xi32>
      %mul3A_486 = arith.constant 256 : i32
      %mul3A_487 = vector.broadcast %mul3A_486 : i32 to vector<16xi32>
      %mul3A_488 = arith.muli %and3A_485, %mul3A_487 : vector<16xi32>
      %shift_right_arithmetic3A = arith.constant 2 : i32
      %shift_right_arithmetic3A_489 = vector.broadcast %shift_right_arithmetic3A : i32 to vector<16xi32>
      %shift_right_arithmetic3A_490 = arith.shrsi %add3A_482, %shift_right_arithmetic3A_489 : vector<16xi32>
      %add3A_491 = arith.addi %mul3A_488, %shift_right_arithmetic3A_490 : vector<16xi32>
      %gather3A = tpu.vector_load_idx %arg6[%add3A_491] : memref<1024xi32, #tpu.memory_space<vmem>>[vector<16xi32>], vector<16xi32>,
      %mul3A_492 = arith.constant 16 : i32
      %mul3A_493 = arith.muli %add3A_478, %mul3A_492 : i32
      %swap3A = arith.index_cast %mul3A_493 : i32 to index
      %swap3A_494 = tpu.vector_load %arg8[%swap3A] {strides = array<i32>} : memref<1024xi32, #tpu.memory_space<vmem>>, vector<16xi32>,
      tpu.vector_store %arg8[%swap3A], %gather3A {strides = array<i32>} : memref<1024xi32, #tpu.memory_space<vmem>>, vector<16xi32>,
    }
    %scan3A_217 = arith.constant 64 : i32
    %dma_start3A_218 = arith.constant 0 : i32
    %dma_start3A_219 = arith.constant 0 : i32
    %dma_start3A_220 = tpu.memref_slice %arg3[%dma_start3A_218, %dma_start3A_219] : memref<1000000x32xf32, #tpu.memory_space<hbm>> -> memref<1000000x32xf32, #tpu.memory_space<hbm>>
    tpu.enqueue_indirect_dma source(%dma_start3A_220 : memref<1000000x32xf32, #tpu.memory_space<hbm>>) target(%arg10 : memref<1024x32xf32, #tpu.memory_space<vmem>>) offsets(%arg8 : memref<1024xi32, #tpu.memory_space<vmem>>) semaphore(%arg14 : memref<!tpu.dma_semaphore, #tpu.memory_space<semaphore_mem>>)
    %dma_wait3A_221 = arith.constant 0 : i32
    %dma_wait3A_222 = arith.constant 0 : i32
    %dma_wait3A_223 = tpu.memref_slice %arg3[%dma_wait3A_221, %dma_wait3A_222] : memref<1000000x32xf32, #tpu.memory_space<hbm>> -> memref<1024x32xf32, #tpu.memory_space<hbm>>
    %dma_wait3A_224 = arith.constant 0 : i32
    %dma_wait3A_225 = arith.constant 0 : i32
    %dma_wait3A_226 = tpu.memref_slice %arg3[%dma_wait3A_224, %dma_wait3A_225] : memref<1000000x32xf32, #tpu.memory_space<hbm>> -> memref<1024x32xf32, #tpu.memory_space<hbm>>
    tpu.wait_dma2 semaphore(%arg13 : memref<!tpu.dma_semaphore, #tpu.memory_space<semaphore_mem>>) src(%dma_wait3A_226 : memref<1024x32xf32, #tpu.memory_space<hbm>>) dst(%arg9 : memref<1024x32xf32, #tpu.memory_space<vmem>>)
    %add3A_227 = arith.constant 0 : i32
    %add3A_228 = arith.addi %mul3A_2, %add3A_227 : i32
    %dma_start3A_229 = arith.constant 0 : i32
    %dma_start3A_230 = tpu.memref_slice %arg4[%add3A_228, %dma_start3A_229] : memref<3276800x32xf32, #tpu.memory_space<hbm>> -> memref<1024x32xf32, #tpu.memory_space<hbm>>
    %dma_start3A_231 = arith.constant 0 : i32
    %dma_start3A_232 = tpu.memref_slice %arg4[%add3A_228, %dma_start3A_231] : memref<3276800x32xf32, #tpu.memory_space<hbm>> -> memref<1024x32xf32, #tpu.memory_space<hbm>>
    tpu.enqueue_dma source(%arg9 : memref<1024x32xf32, #tpu.memory_space<vmem>>) target(%dma_start3A_232 : memref<1024x32xf32, #tpu.memory_space<hbm>>) target_semaphore(%arg15 : memref<!tpu.dma_semaphore, #tpu.memory_space<semaphore_mem>>)
    %min3A_233 = arith.constant 2 : i32
    %min3A_234 = arith.constant 99 : i32
    %min3A_235 = arith.minsi %min3A_233, %min3A_234 : i32
    %mul3A_236 = arith.constant 1024 : i32
    %mul3A_237 = arith.muli %min3A_235, %mul3A_236 : i32
    %add3A_238 = arith.addi %mul3A_2, %mul3A_237 : i32
    %jit3A_239 = arith.constant 16384 : i32
    %div3A_240 = arith.divsi %add3A_238, %jit3A_239 : i32
    %sign3A_241 = arith.constant 0 : i32
    %sign3A_242 = arith.cmpi sgt, %add3A_238, %sign3A_241 : i32
    %sign3A_243 = arith.extui %sign3A_242 : i1 to i32
    %sign3A_244 = arith.constant 0 : i32
    %sign3A_245 = arith.cmpi slt, %add3A_238, %sign3A_244 : i32
    %sign3A_246 = arith.extui %sign3A_245 : i1 to i32
    %sign3A_247 = arith.subi %sign3A_243, %sign3A_246 : i32
    %sign3A_248 = arith.constant 0 : i32
    %sign3A_249 = arith.cmpi sgt, %jit3A_239, %sign3A_248 : i32
    %sign3A_250 = arith.extui %sign3A_249 : i1 to i32
    %sign3A_251 = arith.constant 0 : i32
    %sign3A_252 = arith.cmpi slt, %jit3A_239, %sign3A_251 : i32
    %sign3A_253 = arith.extui %sign3A_252 : i1 to i32
    %sign3A_254 = arith.subi %sign3A_250, %sign3A_253 : i32
    %ne3A_255 = arith.cmpi ne, %sign3A_247, %sign3A_254 : i32
    %rem3A_256 = arith.remsi %add3A_238, %jit3A_239 : i32
    %ne3A_257 = arith.constant 0 : i32
    %ne3A_258 = arith.cmpi ne, %rem3A_256, %ne3A_257 : i32
    %and3A_259 = arith.andi %ne3A_255, %ne3A_258 : i1
    %sub3A_260 = arith.constant 1 : i32
    %sub3A_261 = arith.subi %div3A_240, %sub3A_260 : i32
    %select_n3A_262 = arith.select %and3A_259, %sub3A_261, %div3A_240 : i32
    %mul3A_263 = arith.constant 16384 : i32
    %mul3A_264 = arith.muli %select_n3A_262, %mul3A_263 : i32
    %jit3A_265 = arith.constant 16384 : i32
    %eq3A_266 = arith.constant 0 : i32
    %eq3A_267 = arith.cmpi eq, %jit3A_265, %eq3A_266 : i32
    %jit3A_268 = arith.constant 1 : i32
    %select_n3A_269 = arith.select %eq3A_267, %jit3A_268, %jit3A_265 : i32
    %rem3A_270 = arith.remsi %add3A_238, %select_n3A_269 : i32
    %ne3A_271 = arith.constant 0 : i32
    %ne3A_272 = arith.cmpi ne, %rem3A_270, %ne3A_271 : i32
    %lt3A_273 = arith.constant 0 : i32
    %lt3A_274 = arith.cmpi slt, %rem3A_270, %lt3A_273 : i32
    %lt3A_275 = arith.constant 0 : i32
    %lt3A_276 = arith.cmpi slt, %select_n3A_269, %lt3A_275 : i32
    %ne3A_277 = arith.xori %lt3A_274, %lt3A_276 : i1
    %and3A_278 = arith.andi %ne3A_277, %ne3A_272 : i1
    %add3A_279 = arith.addi %rem3A_270, %select_n3A_269 : i32
    %select_n3A_280 = arith.select %and3A_278, %add3A_279, %rem3A_270 : i32
    %jit3A_281 = arith.constant 4 : i32
    %div3A_282 = arith.divsi %select_n3A_280, %jit3A_281 : i32
    %sign3A_283 = arith.constant 0 : i32
    %sign3A_284 = arith.cmpi sgt, %select_n3A_280, %sign3A_283 : i32
    %sign3A_285 = arith.extui %sign3A_284 : i1 to i32
    %sign3A_286 = arith.constant 0 : i32
    %sign3A_287 = arith.cmpi slt, %select_n3A_280, %sign3A_286 : i32
    %sign3A_288 = arith.extui %sign3A_287 : i1 to i32
    %sign3A_289 = arith.subi %sign3A_285, %sign3A_288 : i32
    %sign3A_290 = arith.constant 0 : i32
    %sign3A_291 = arith.cmpi sgt, %jit3A_281, %sign3A_290 : i32
    %sign3A_292 = arith.extui %sign3A_291 : i1 to i32
    %sign3A_293 = arith.constant 0 : i32
    %sign3A_294 = arith.cmpi slt, %jit3A_281, %sign3A_293 : i32
    %sign3A_295 = arith.extui %sign3A_294 : i1 to i32
    %sign3A_296 = arith.subi %sign3A_292, %sign3A_295 : i32
    %ne3A_297 = arith.cmpi ne, %sign3A_289, %sign3A_296 : i32
    %rem3A_298 = arith.remsi %select_n3A_280, %jit3A_281 : i32
    %ne3A_299 = arith.constant 0 : i32
    %ne3A_300 = arith.cmpi ne, %rem3A_298, %ne3A_299 : i32
    %and3A_301 = arith.andi %ne3A_297, %ne3A_300 : i1
    %sub3A_302 = arith.constant 1 : i32
    %sub3A_303 = arith.subi %div3A_282, %sub3A_302 : i32
    %select_n3A_304 = arith.select %and3A_301, %sub3A_303, %div3A_282 : i32
    %add3A_305 = arith.addi %mul3A_264, %select_n3A_304 : i32
    %multiple_of3A_306 = tpu.assume_multiple %add3A_305, 256 : i32
    %add3A_307 = arith.constant 0 : i32
    %add3A_308 = arith.addi %multiple_of3A_306, %add3A_307 : i32
    %dma_start3A_309 = arith.constant 0 : i32
    %dma_start3A_310 = tpu.memref_slice %arg5[%dma_start3A_309] : memref<1024xi32, #tpu.memory_space<vmem>> -> memref<256xi32, #tpu.memory_space<vmem>>
    %dma_start3A_311 = tpu.memref_slice %arg2[%add3A_308] : memref<3276800xi32, #tpu.memory_space<hbm>> -> memref<256xi32, #tpu.memory_space<hbm>>
    %dma_start3A_312 = arith.constant 0 : i32
    %dma_start3A_313 = tpu.memref_slice %arg5[%dma_start3A_312] : memref<1024xi32, #tpu.memory_space<vmem>> -> memref<256xi32, #tpu.memory_space<vmem>>
    %dma_start3A_314 = tpu.memref_slice %arg2[%add3A_308] : memref<3276800xi32, #tpu.memory_space<hbm>> -> memref<256xi32, #tpu.memory_space<hbm>>
    tpu.enqueue_dma source(%dma_start3A_314 : memref<256xi32, #tpu.memory_space<hbm>>) target(%dma_start3A_313 : memref<256xi32, #tpu.memory_space<vmem>>) target_semaphore(%arg11 : memref<!tpu.dma_semaphore, #tpu.memory_space<semaphore_mem>>)
    %add3A_315 = arith.constant 4096 : i32
    %add3A_316 = arith.addi %multiple_of3A_306, %add3A_315 : i32
    %dma_start3A_317 = arith.constant 256 : i32
    %dma_start3A_318 = tpu.memref_slice %arg5[%dma_start3A_317] : memref<1024xi32, #tpu.memory_space<vmem>> -> memref<256xi32, #tpu.memory_space<vmem>>
    %dma_start3A_319 = tpu.memref_slice %arg2[%add3A_316] : memref<3276800xi32, #tpu.memory_space<hbm>> -> memref<256xi32, #tpu.memory_space<hbm>>
    %dma_start3A_320 = arith.constant 256 : i32
    %dma_start3A_321 = tpu.memref_slice %arg5[%dma_start3A_320] : memref<1024xi32, #tpu.memory_space<vmem>> -> memref<256xi32, #tpu.memory_space<vmem>>
    %dma_start3A_322 = tpu.memref_slice %arg2[%add3A_316] : memref<3276800xi32, #tpu.memory_space<hbm>> -> memref<256xi32, #tpu.memory_space<hbm>>
    tpu.enqueue_dma source(%dma_start3A_322 : memref<256xi32, #tpu.memory_space<hbm>>) target(%dma_start3A_321 : memref<256xi32, #tpu.memory_space<vmem>>) target_semaphore(%arg11 : memref<!tpu.dma_semaphore, #tpu.memory_space<semaphore_mem>>)
    %add3A_323 = arith.constant 8192 : i32
    %add3A_324 = arith.addi %multiple_of3A_306, %add3A_323 : i32
    %dma_start3A_325 = arith.constant 512 : i32
    %dma_start3A_326 = tpu.memref_slice %arg5[%dma_start3A_325] : memref<1024xi32, #tpu.memory_space<vmem>> -> memref<256xi32, #tpu.memory_space<vmem>>
    %dma_start3A_327 = tpu.memref_slice %arg2[%add3A_324] : memref<3276800xi32, #tpu.memory_space<hbm>> -> memref<256xi32, #tpu.memory_space<hbm>>
    %dma_start3A_328 = arith.constant 512 : i32
    %dma_start3A_329 = tpu.memref_slice %arg5[%dma_start3A_328] : memref<1024xi32, #tpu.memory_space<vmem>> -> memref<256xi32, #tpu.memory_space<vmem>>
    %dma_start3A_330 = tpu.memref_slice %arg2[%add3A_324] : memref<3276800xi32, #tpu.memory_space<hbm>> -> memref<256xi32, #tpu.memory_space<hbm>>
    tpu.enqueue_dma source(%dma_start3A_330 : memref<256xi32, #tpu.memory_space<hbm>>) target(%dma_start3A_329 : memref<256xi32, #tpu.memory_space<vmem>>) target_semaphore(%arg11 : memref<!tpu.dma_semaphore, #tpu.memory_space<semaphore_mem>>)
    %add3A_331 = arith.constant 12288 : i32
    %add3A_332 = arith.addi %multiple_of3A_306, %add3A_331 : i32
    %dma_start3A_333 = arith.constant 768 : i32
    %dma_start3A_334 = tpu.memref_slice %arg5[%dma_start3A_333] : memref<1024xi32, #tpu.memory_space<vmem>> -> memref<256xi32, #tpu.memory_space<vmem>>
    %dma_start3A_335 = tpu.memref_slice %arg2[%add3A_332] : memref<3276800xi32, #tpu.memory_space<hbm>> -> memref<256xi32, #tpu.memory_space<hbm>>
    %dma_start3A_336 = arith.constant 768 : i32
    %dma_start3A_337 = tpu.memref_slice %arg5[%dma_start3A_336] : memref<1024xi32, #tpu.memory_space<vmem>> -> memref<256xi32, #tpu.memory_space<vmem>>
    %dma_start3A_338 = tpu.memref_slice %arg2[%add3A_332] : memref<3276800xi32, #tpu.memory_space<hbm>> -> memref<256xi32, #tpu.memory_space<hbm>>
    tpu.enqueue_dma source(%dma_start3A_338 : memref<256xi32, #tpu.memory_space<hbm>>) target(%dma_start3A_337 : memref<256xi32, #tpu.memory_space<vmem>>) target_semaphore(%arg11 : memref<!tpu.dma_semaphore, #tpu.memory_space<semaphore_mem>>)
    %dma_wait3A_339 = arith.constant 0 : i32
    %dma_wait3A_340 = arith.constant 0 : i32
    %dma_wait3A_341 = tpu.memref_slice %arg3[%dma_wait3A_339, %dma_wait3A_340] : memref<1000000x32xf32, #tpu.memory_space<hbm>> -> memref<1024x32xf32, #tpu.memory_space<hbm>>
    %dma_wait3A_342 = arith.constant 0 : i32
    %dma_wait3A_343 = arith.constant 0 : i32
    %dma_wait3A_344 = tpu.memref_slice %arg3[%dma_wait3A_342, %dma_wait3A_343] : memref<1000000x32xf32, #tpu.memory_space<hbm>> -> memref<1024x32xf32, #tpu.memory_space<hbm>>
    tpu.wait_dma2 semaphore(%arg14 : memref<!tpu.dma_semaphore, #tpu.memory_space<semaphore_mem>>) src(%dma_wait3A_344 : memref<1024x32xf32, #tpu.memory_space<hbm>>) dst(%arg10 : memref<1024x32xf32, #tpu.memory_space<vmem>>)
    %add3A_345 = arith.constant 1024 : i32
    %add3A_346 = arith.addi %mul3A_2, %add3A_345 : i32
    %dma_start3A_347 = arith.constant 0 : i32
    %dma_start3A_348 = tpu.memref_slice %arg4[%add3A_346, %dma_start3A_347] : memref<3276800x32xf32, #tpu.memory_space<hbm>> -> memref<1024x32xf32, #tpu.memory_space<hbm>>
    %dma_start3A_349 = arith.constant 0 : i32
    %dma_start3A_350 = tpu.memref_slice %arg4[%add3A_346, %dma_start3A_349] : memref<3276800x32xf32, #tpu.memory_space<hbm>> -> memref<1024x32xf32, #tpu.memory_space<hbm>>
    tpu.enqueue_dma source(%arg10 : memref<1024x32xf32, #tpu.memory_space<vmem>>) target(%dma_start3A_350 : memref<1024x32xf32, #tpu.memory_space<hbm>>) target_semaphore(%arg16 : memref<!tpu.dma_semaphore, #tpu.memory_space<semaphore_mem>>)
    %min3A_351 = arith.constant 3 : i32
    %min3A_352 = arith.constant 99 : i32
    %min3A_353 = arith.minsi %min3A_351, %min3A_352 : i32
    %mul3A_354 = arith.constant 1024 : i32
    %mul3A_355 = arith.muli %min3A_353, %mul3A_354 : i32
    %add3A_356 = arith.addi %mul3A_2, %mul3A_355 : i32
    %jit3A_357 = arith.constant 16384 : i32
    %div3A_358 = arith.divsi %add3A_356, %jit3A_357 : i32
    %sign3A_359 = arith.constant 0 : i32
    %sign3A_360 = arith.cmpi sgt, %add3A_356, %sign3A_359 : i32
    %sign3A_361 = arith.extui %sign3A_360 : i1 to i32
    %sign3A_362 = arith.constant 0 : i32
    %sign3A_363 = arith.cmpi slt, %add3A_356, %sign3A_362 : i32
    %sign3A_364 = arith.extui %sign3A_363 : i1 to i32
    %sign3A_365 = arith.subi %sign3A_361, %sign3A_364 : i32
    %sign3A_366 = arith.constant 0 : i32
    %sign3A_367 = arith.cmpi sgt, %jit3A_357, %sign3A_366 : i32
    %sign3A_368 = arith.extui %sign3A_367 : i1 to i32
    %sign3A_369 = arith.constant 0 : i32
    %sign3A_370 = arith.cmpi slt, %jit3A_357, %sign3A_369 : i32
    %sign3A_371 = arith.extui %sign3A_370 : i1 to i32
    %sign3A_372 = arith.subi %sign3A_368, %sign3A_371 : i32
    %ne3A_373 = arith.cmpi ne, %sign3A_365, %sign3A_372 : i32
    %rem3A_374 = arith.remsi %add3A_356, %jit3A_357 : i32
    %ne3A_375 = arith.constant 0 : i32
    %ne3A_376 = arith.cmpi ne, %rem3A_374, %ne3A_375 : i32
    %and3A_377 = arith.andi %ne3A_373, %ne3A_376 : i1
    %sub3A_378 = arith.constant 1 : i32
    %sub3A_379 = arith.subi %div3A_358, %sub3A_378 : i32
    %select_n3A_380 = arith.select %and3A_377, %sub3A_379, %div3A_358 : i32
    %mul3A_381 = arith.constant 16384 : i32
    %mul3A_382 = arith.muli %select_n3A_380, %mul3A_381 : i32
    %jit3A_383 = arith.constant 16384 : i32
    %eq3A_384 = arith.constant 0 : i32
    %eq3A_385 = arith.cmpi eq, %jit3A_383, %eq3A_384 : i32
    %jit3A_386 = arith.constant 1 : i32
    %select_n3A_387 = arith.select %eq3A_385, %jit3A_386, %jit3A_383 : i32
    %rem3A_388 = arith.remsi %add3A_356, %select_n3A_387 : i32
    %ne3A_389 = arith.constant 0 : i32
    %ne3A_390 = arith.cmpi ne, %rem3A_388, %ne3A_389 : i32
    %lt3A_391 = arith.constant 0 : i32
    %lt3A_392 = arith.cmpi slt, %rem3A_388, %lt3A_391 : i32
    %lt3A_393 = arith.constant 0 : i32
    %lt3A_394 = arith.cmpi slt, %select_n3A_387, %lt3A_393 : i32
    %ne3A_395 = arith.xori %lt3A_392, %lt3A_394 : i1
    %and3A_396 = arith.andi %ne3A_395, %ne3A_390 : i1
    %add3A_397 = arith.addi %rem3A_388, %select_n3A_387 : i32
    %select_n3A_398 = arith.select %and3A_396, %add3A_397, %rem3A_388 : i32
    %jit3A_399 = arith.constant 4 : i32
    %div3A_400 = arith.divsi %select_n3A_398, %jit3A_399 : i32
    %sign3A_401 = arith.constant 0 : i32
    %sign3A_402 = arith.cmpi sgt, %select_n3A_398, %sign3A_401 : i32
    %sign3A_403 = arith.extui %sign3A_402 : i1 to i32
    %sign3A_404 = arith.constant 0 : i32
    %sign3A_405 = arith.cmpi slt, %select_n3A_398, %sign3A_404 : i32
    %sign3A_406 = arith.extui %sign3A_405 : i1 to i32
    %sign3A_407 = arith.subi %sign3A_403, %sign3A_406 : i32
    %sign3A_408 = arith.constant 0 : i32
    %sign3A_409 = arith.cmpi sgt, %jit3A_399, %sign3A_408 : i32
    %sign3A_410 = arith.extui %sign3A_409 : i1 to i32
    %sign3A_411 = arith.constant 0 : i32
    %sign3A_412 = arith.cmpi slt, %jit3A_399, %sign3A_411 : i32
    %sign3A_413 = arith.extui %sign3A_412 : i1 to i32
    %sign3A_414 = arith.subi %sign3A_410, %sign3A_413 : i32
    %ne3A_415 = arith.cmpi ne, %sign3A_407, %sign3A_414 : i32
    %rem3A_416 = arith.remsi %select_n3A_398, %jit3A_399 : i32
    %ne3A_417 = arith.constant 0 : i32
    %ne3A_418 = arith.cmpi ne, %rem3A_416, %ne3A_417 : i32
    %and3A_419 = arith.andi %ne3A_415, %ne3A_418 : i1
    %sub3A_420 = arith.constant 1 : i32
    %sub3A_421 = arith.subi %div3A_400, %sub3A_420 : i32
    %select_n3A_422 = arith.select %and3A_419, %sub3A_421, %div3A_400 : i32
    %add3A_423 = arith.addi %mul3A_382, %select_n3A_422 : i32
    %multiple_of3A_424 = tpu.assume_multiple %add3A_423, 256 : i32
    %add3A_425 = arith.constant 0 : i32
    %add3A_426 = arith.addi %multiple_of3A_424, %add3A_425 : i32
    %dma_start3A_427 = arith.constant 0 : i32
    %dma_start3A_428 = tpu.memref_slice %arg6[%dma_start3A_427] : memref<1024xi32, #tpu.memory_space<vmem>> -> memref<256xi32, #tpu.memory_space<vmem>>
    %dma_start3A_429 = tpu.memref_slice %arg2[%add3A_426] : memref<3276800xi32, #tpu.memory_space<hbm>> -> memref<256xi32, #tpu.memory_space<hbm>>
    %dma_start3A_430 = arith.constant 0 : i32
    %dma_start3A_431 = tpu.memref_slice %arg6[%dma_start3A_430] : memref<1024xi32, #tpu.memory_space<vmem>> -> memref<256xi32, #tpu.memory_space<vmem>>
    %dma_start3A_432 = tpu.memref_slice %arg2[%add3A_426] : memref<3276800xi32, #tpu.memory_space<hbm>> -> memref<256xi32, #tpu.memory_space<hbm>>
    tpu.enqueue_dma source(%dma_start3A_432 : memref<256xi32, #tpu.memory_space<hbm>>) target(%dma_start3A_431 : memref<256xi32, #tpu.memory_space<vmem>>) target_semaphore(%arg12 : memref<!tpu.dma_semaphore, #tpu.memory_space<semaphore_mem>>)
    %add3A_433 = arith.constant 4096 : i32
    %add3A_434 = arith.addi %multiple_of3A_424, %add3A_433 : i32
    %dma_start3A_435 = arith.constant 256 : i32
    %dma_start3A_436 = tpu.memref_slice %arg6[%dma_start3A_435] : memref<1024xi32, #tpu.memory_space<vmem>> -> memref<256xi32, #tpu.memory_space<vmem>>
    %dma_start3A_437 = tpu.memref_slice %arg2[%add3A_434] : memref<3276800xi32, #tpu.memory_space<hbm>> -> memref<256xi32, #tpu.memory_space<hbm>>
    %dma_start3A_438 = arith.constant 256 : i32
    %dma_start3A_439 = tpu.memref_slice %arg6[%dma_start3A_438] : memref<1024xi32, #tpu.memory_space<vmem>> -> memref<256xi32, #tpu.memory_space<vmem>>
    %dma_start3A_440 = tpu.memref_slice %arg2[%add3A_434] : memref<3276800xi32, #tpu.memory_space<hbm>> -> memref<256xi32, #tpu.memory_space<hbm>>
    tpu.enqueue_dma source(%dma_start3A_440 : memref<256xi32, #tpu.memory_space<hbm>>) target(%dma_start3A_439 : memref<256xi32, #tpu.memory_space<vmem>>) target_semaphore(%arg12 : memref<!tpu.dma_semaphore, #tpu.memory_space<semaphore_mem>>)
    %add3A_441 = arith.constant 8192 : i32
    %add3A_442 = arith.addi %multiple_of3A_424, %add3A_441 : i32
    %dma_start3A_443 = arith.constant 512 : i32
    %dma_start3A_444 = tpu.memref_slice %arg6[%dma_start3A_443] : memref<1024xi32, #tpu.memory_space<vmem>> -> memref<256xi32, #tpu.memory_space<vmem>>
    %dma_start3A_445 = tpu.memref_slice %arg2[%add3A_442] : memref<3276800xi32, #tpu.memory_space<hbm>> -> memref<256xi32, #tpu.memory_space<hbm>>
    %dma_start3A_446 = arith.constant 512 : i32
    %dma_start3A_447 = tpu.memref_slice %arg6[%dma_start3A_446] : memref<1024xi32, #tpu.memory_space<vmem>> -> memref<256xi32, #tpu.memory_space<vmem>>
    %dma_start3A_448 = tpu.memref_slice %arg2[%add3A_442] : memref<3276800xi32, #tpu.memory_space<hbm>> -> memref<256xi32, #tpu.memory_space<hbm>>
    tpu.enqueue_dma source(%dma_start3A_448 : memref<256xi32, #tpu.memory_space<hbm>>) target(%dma_start3A_447 : memref<256xi32, #tpu.memory_space<vmem>>) target_semaphore(%arg12 : memref<!tpu.dma_semaphore, #tpu.memory_space<semaphore_mem>>)
    %add3A_449 = arith.constant 12288 : i32
    %add3A_450 = arith.addi %multiple_of3A_424, %add3A_449 : i32
    %dma_start3A_451 = arith.constant 768 : i32
    %dma_start3A_452 = tpu.memref_slice %arg6[%dma_start3A_451] : memref<1024xi32, #tpu.memory_space<vmem>> -> memref<256xi32, #tpu.memory_space<vmem>>
    %dma_start3A_453 = tpu.memref_slice %arg2[%add3A_450] : memref<3276800xi32, #tpu.memory_space<hbm>> -> memref<256xi32, #tpu.memory_space<hbm>>
    %dma_start3A_454 = arith.constant 768 : i32
    %dma_start3A_455 = tpu.memref_slice %arg6[%dma_start3A_454] : memref<1024xi32, #tpu.memory_space<vmem>> -> memref<256xi32, #tpu.memory_space<vmem>>
    %dma_start3A_456 = tpu.memref_slice %arg2[%add3A_450] : memref<3276800xi32, #tpu.memory_space<hbm>> -> memref<256xi32, #tpu.memory_space<hbm>>
    tpu.enqueue_dma source(%dma_start3A_456 : memref<256xi32, #tpu.memory_space<hbm>>) target(%dma_start3A_455 : memref<256xi32, #tpu.memory_space<vmem>>) target_semaphore(%arg12 : memref<!tpu.dma_semaphore, #tpu.memory_space<semaphore_mem>>)
    %scan3A_457 = arith.constant 0 : i32
    %scan3A_458 = arith.constant 49 : i32
    %scan3A_459 = arith.addi %scan3A_457, %scan3A_458 : i32
    %scan3A_460 = arith.constant 1 : i32
    scf.for %scan3A_474 = %scan3A_457 to %scan3A_459 step %scan3A_460  : i32 {
      %mul3A_475 = arith.constant 1 : i32
      %mul3A_476 = arith.muli %scan3A_474, %mul3A_475 : i32
      %add3A_477 = arith.constant 1 : i32
      %add3A_478 = arith.addi %add3A_477, %mul3A_476 : i32
      %mul3A_479 = arith.constant 2 : i32
      %mul3A_480 = arith.muli %mul3A_479, %add3A_478 : i32
      %dma_wait3A_481 = tpu.memref_slice %arg2[%mul3A_2] : memref<3276800xi32, #tpu.memory_space<hbm>> -> memref<1024xi32, #tpu.memory_space<hbm>>
      %dma_wait3A_482 = tpu.memref_slice %arg2[%mul3A_2] : memref<3276800xi32, #tpu.memory_space<hbm>> -> memref<1024xi32, #tpu.memory_space<hbm>>
      tpu.wait_dma2 semaphore(%arg11 : memref<!tpu.dma_semaphore, #tpu.memory_space<semaphore_mem>>) src(%dma_wait3A_482 : memref<1024xi32, #tpu.memory_space<hbm>>) dst(%arg5 : memref<1024xi32, #tpu.memory_space<vmem>>)
      %iota3A_483 = tpu.iota {dimensions = array<i32: 0>} : vector<16xi32>
      %scan3A_484 = arith.constant 0 : i32
      %scan3A_485 = arith.constant 64 : i32
      %scan3A_486 = arith.addi %scan3A_484, %scan3A_485 : i32
      %scan3A_487 = arith.constant 1 : i32
      scf.for %scan3A_753 = %scan3A_484 to %scan3A_486 step %scan3A_487  : i32 {
        %mul3A_754 = arith.constant 1 : i32
        %mul3A_755 = arith.muli %scan3A_753, %mul3A_754 : i32
        %add3A_756 = arith.constant 0 : i32
        %add3A_757 = arith.addi %add3A_756, %mul3A_755 : i32
        %mul3A_758 = arith.constant 16 : i32
        %mul3A_759 = arith.muli %add3A_757, %mul3A_758 : i32
        %add3A_760 = vector.broadcast %mul3A_759 : i32 to vector<16xi32>
        %add3A_761 = arith.addi %iota3A_483, %add3A_760 : vector<16xi32>
        %and3A_762 = arith.constant 3 : i32
        %and3A_763 = vector.broadcast %and3A_762 : i32 to vector<16xi32>
        %and3A_764 = arith.andi %add3A_761, %and3A_763 : vector<16xi32>
        %mul3A_765 = arith.constant 256 : i32
        %mul3A_766 = vector.broadcast %mul3A_765 : i32 to vector<16xi32>
        %mul3A_767 = arith.muli %and3A_764, %mul3A_766 : vector<16xi32>
        %shift_right_arithmetic3A = arith.constant 2 : i32
        %shift_right_arithmetic3A_768 = vector.broadcast %shift_right_arithmetic3A : i32 to vector<16xi32>
        %shift_right_arithmetic3A_769 = arith.shrsi %add3A_761, %shift_right_arithmetic3A_768 : vector<16xi32>
        %add3A_770 = arith.addi %mul3A_767, %shift_right_arithmetic3A_769 : vector<16xi32>
        %gather3A = tpu.vector_load_idx %arg5[%add3A_770] : memref<1024xi32, #tpu.memory_space<vmem>>[vector<16xi32>], vector<16xi32>,
        %mul3A_771 = arith.constant 16 : i32
        %mul3A_772 = arith.muli %add3A_757, %mul3A_771 : i32
        %swap3A = arith.index_cast %mul3A_772 : i32 to index
        %swap3A_773 = tpu.vector_load %arg7[%swap3A] {strides = array<i32>} : memref<1024xi32, #tpu.memory_space<vmem>>, vector<16xi32>,
        tpu.vector_store %arg7[%swap3A], %gather3A {strides = array<i32>} : memref<1024xi32, #tpu.memory_space<vmem>>, vector<16xi32>,
      }
      %scan3A_488 = arith.constant 64 : i32
      %dma_wait3A_489 = arith.constant 0 : i32
      %dma_wait3A_490 = tpu.memref_slice %arg4[%mul3A_2, %dma_wait3A_489] : memref<3276800x32xf32, #tpu.memory_space<hbm>> -> memref<1024x32xf32, #tpu.memory_space<hbm>>
      %dma_wait3A_491 = arith.constant 0 : i32
      %dma_wait3A_492 = tpu.memref_slice %arg4[%mul3A_2, %dma_wait3A_491] : memref<3276800x32xf32, #tpu.memory_space<hbm>> -> memref<1024x32xf32, #tpu.memory_space<hbm>>
      tpu.wait_dma2 semaphore(%arg15 : memref<!tpu.dma_semaphore, #tpu.memory_space<semaphore_mem>>) src(%arg9 : memref<1024x32xf32, #tpu.memory_space<vmem>>) dst(%dma_wait3A_492 : memref<1024x32xf32, #tpu.memory_space<hbm>>)
      %dma_start3A_493 = arith.constant 0 : i32
      %dma_start3A_494 = arith.constant 0 : i32
      %dma_start3A_495 = tpu.memref_slice %arg3[%dma_start3A_493, %dma_start3A_494] : memref<1000000x32xf32, #tpu.memory_space<hbm>> -> memref<1000000x32xf32, #tpu.memory_space<hbm>>
      tpu.enqueue_indirect_dma source(%dma_start3A_495 : memref<1000000x32xf32, #tpu.memory_space<hbm>>) target(%arg9 : memref<1024x32xf32, #tpu.memory_space<vmem>>) offsets(%arg7 : memref<1024xi32, #tpu.memory_space<vmem>>) semaphore(%arg13 : memref<!tpu.dma_semaphore, #tpu.memory_space<semaphore_mem>>)
      %dma_wait3A_496 = tpu.memref_slice %arg2[%mul3A_2] : memref<3276800xi32, #tpu.memory_space<hbm>> -> memref<1024xi32, #tpu.memory_space<hbm>>
      %dma_wait3A_497 = tpu.memref_slice %arg2[%mul3A_2] : memref<3276800xi32, #tpu.memory_space<hbm>> -> memref<1024xi32, #tpu.memory_space<hbm>>
      tpu.wait_dma2 semaphore(%arg12 : memref<!tpu.dma_semaphore, #tpu.memory_space<semaphore_mem>>) src(%dma_wait3A_497 : memref<1024xi32, #tpu.memory_space<hbm>>) dst(%arg6 : memref<1024xi32, #tpu.memory_space<vmem>>)
      %iota3A_498 = tpu.iota {dimensions = array<i32: 0>} : vector<16xi32>
      %scan3A_499 = arith.constant 0 : i32
      %scan3A_500 = arith.constant 64 : i32
      %scan3A_501 = arith.addi %scan3A_499, %scan3A_500 : i32
      %scan3A_502 = arith.constant 1 : i32
      scf.for %scan3A_753 = %scan3A_499 to %scan3A_501 step %scan3A_502  : i32 {
        %mul3A_754 = arith.constant 1 : i32
        %mul3A_755 = arith.muli %scan3A_753, %mul3A_754 : i32
        %add3A_756 = arith.constant 0 : i32
        %add3A_757 = arith.addi %add3A_756, %mul3A_755 : i32
        %mul3A_758 = arith.constant 16 : i32
        %mul3A_759 = arith.muli %add3A_757, %mul3A_758 : i32
        %add3A_760 = vector.broadcast %mul3A_759 : i32 to vector<16xi32>
        %add3A_761 = arith.addi %iota3A_498, %add3A_760 : vector<16xi32>
        %and3A_762 = arith.constant 3 : i32
        %and3A_763 = vector.broadcast %and3A_762 : i32 to vector<16xi32>
        %and3A_764 = arith.andi %add3A_761, %and3A_763 : vector<16xi32>
        %mul3A_765 = arith.constant 256 : i32
        %mul3A_766 = vector.broadcast %mul3A_765 : i32 to vector<16xi32>
        %mul3A_767 = arith.muli %and3A_764, %mul3A_766 : vector<16xi32>
        %shift_right_arithmetic3A = arith.constant 2 : i32
        %shift_right_arithmetic3A_768 = vector.broadcast %shift_right_arithmetic3A : i32 to vector<16xi32>
        %shift_right_arithmetic3A_769 = arith.shrsi %add3A_761, %shift_right_arithmetic3A_768 : vector<16xi32>
        %add3A_770 = arith.addi %mul3A_767, %shift_right_arithmetic3A_769 : vector<16xi32>
        %gather3A = tpu.vector_load_idx %arg6[%add3A_770] : memref<1024xi32, #tpu.memory_space<vmem>>[vector<16xi32>], vector<16xi32>,
        %mul3A_771 = arith.constant 16 : i32
        %mul3A_772 = arith.muli %add3A_757, %mul3A_771 : i32
        %swap3A = arith.index_cast %mul3A_772 : i32 to index
        %swap3A_773 = tpu.vector_load %arg8[%swap3A] {strides = array<i32>} : memref<1024xi32, #tpu.memory_space<vmem>>, vector<16xi32>,
        tpu.vector_store %arg8[%swap3A], %gather3A {strides = array<i32>} : memref<1024xi32, #tpu.memory_space<vmem>>, vector<16xi32>,
      }
      %scan3A_503 = arith.constant 64 : i32
      %dma_wait3A_504 = arith.constant 0 : i32
      %dma_wait3A_505 = tpu.memref_slice %arg4[%mul3A_2, %dma_wait3A_504] : memref<3276800x32xf32, #tpu.memory_space<hbm>> -> memref<1024x32xf32, #tpu.memory_space<hbm>>
      %dma_wait3A_506 = arith.constant 0 : i32
      %dma_wait3A_507 = tpu.memref_slice %arg4[%mul3A_2, %dma_wait3A_506] : memref<3276800x32xf32, #tpu.memory_space<hbm>> -> memref<1024x32xf32, #tpu.memory_space<hbm>>
      tpu.wait_dma2 semaphore(%arg16 : memref<!tpu.dma_semaphore, #tpu.memory_space<semaphore_mem>>) src(%arg10 : memref<1024x32xf32, #tpu.memory_space<vmem>>) dst(%dma_wait3A_507 : memref<1024x32xf32, #tpu.memory_space<hbm>>)
      %dma_start3A_508 = arith.constant 0 : i32
      %dma_start3A_509 = arith.constant 0 : i32
      %dma_start3A_510 = tpu.memref_slice %arg3[%dma_start3A_508, %dma_start3A_509] : memref<1000000x32xf32, #tpu.memory_space<hbm>> -> memref<1000000x32xf32, #tpu.memory_space<hbm>>
      tpu.enqueue_indirect_dma source(%dma_start3A_510 : memref<1000000x32xf32, #tpu.memory_space<hbm>>) target(%arg10 : memref<1024x32xf32, #tpu.memory_space<vmem>>) offsets(%arg8 : memref<1024xi32, #tpu.memory_space<vmem>>) semaphore(%arg14 : memref<!tpu.dma_semaphore, #tpu.memory_space<semaphore_mem>>)
      %dma_wait3A_511 = arith.constant 0 : i32
      %dma_wait3A_512 = arith.constant 0 : i32
      %dma_wait3A_513 = tpu.memref_slice %arg3[%dma_wait3A_511, %dma_wait3A_512] : memref<1000000x32xf32, #tpu.memory_space<hbm>> -> memref<1024x32xf32, #tpu.memory_space<hbm>>
      %dma_wait3A_514 = arith.constant 0 : i32
      %dma_wait3A_515 = arith.constant 0 : i32
      %dma_wait3A_516 = tpu.memref_slice %arg3[%dma_wait3A_514, %dma_wait3A_515] : memref<1000000x32xf32, #tpu.memory_space<hbm>> -> memref<1024x32xf32, #tpu.memory_space<hbm>>
      tpu.wait_dma2 semaphore(%arg13 : memref<!tpu.dma_semaphore, #tpu.memory_space<semaphore_mem>>) src(%dma_wait3A_516 : memref<1024x32xf32, #tpu.memory_space<hbm>>) dst(%arg9 : memref<1024x32xf32, #tpu.memory_space<vmem>>)
      %mul3A_517 = arith.constant 1024 : i32
      %mul3A_518 = arith.muli %mul3A_480, %mul3A_517 : i32
      %add3A_519 = arith.addi %mul3A_2, %mul3A_518 : i32
      %dma_start3A_520 = arith.constant 0 : i32
      %dma_start3A_521 = tpu.memref_slice %arg4[%add3A_519, %dma_start3A_520] : memref<3276800x32xf32, #tpu.memory_space<hbm>> -> memref<1024x32xf32, #tpu.memory_space<hbm>>
      %dma_start3A_522 = arith.constant 0 : i32
      %dma_start3A_523 = tpu.memref_slice %arg4[%add3A_519, %dma_start3A_522] : memref<3276800x32xf32, #tpu.memory_space<hbm>> -> memref<1024x32xf32, #tpu.memory_space<hbm>>
      tpu.enqueue_dma source(%arg9 : memref<1024x32xf32, #tpu.memory_space<vmem>>) target(%dma_start3A_523 : memref<1024x32xf32, #tpu.memory_space<hbm>>) target_semaphore(%arg15 : memref<!tpu.dma_semaphore, #tpu.memory_space<semaphore_mem>>)
      %add3A_524 = arith.constant 2 : i32
      %add3A_525 = arith.addi %mul3A_480, %add3A_524 : i32
      %min3A_526 = arith.constant 99 : i32
      %min3A_527 = arith.minsi %add3A_525, %min3A_526 : i32
      %mul3A_528 = arith.constant 1024 : i32
      %mul3A_529 = arith.muli %min3A_527, %mul3A_528 : i32
      %add3A_530 = arith.addi %mul3A_2, %mul3A_529 : i32
      %jit3A_531 = arith.constant 16384 : i32
      %div3A_532 = arith.divsi %add3A_530, %jit3A_531 : i32
      %sign3A_533 = arith.constant 0 : i32
      %sign3A_534 = arith.cmpi sgt, %add3A_530, %sign3A_533 : i32
      %sign3A_535 = arith.extui %sign3A_534 : i1 to i32
      %sign3A_536 = arith.constant 0 : i32
      %sign3A_537 = arith.cmpi slt, %add3A_530, %sign3A_536 : i32
      %sign3A_538 = arith.extui %sign3A_537 : i1 to i32
      %sign3A_539 = arith.subi %sign3A_535, %sign3A_538 : i32
      %sign3A_540 = arith.constant 0 : i32
      %sign3A_541 = arith.cmpi sgt, %jit3A_531, %sign3A_540 : i32
      %sign3A_542 = arith.extui %sign3A_541 : i1 to i32
      %sign3A_543 = arith.constant 0 : i32
      %sign3A_544 = arith.cmpi slt, %jit3A_531, %sign3A_543 : i32
      %sign3A_545 = arith.extui %sign3A_544 : i1 to i32
      %sign3A_546 = arith.subi %sign3A_542, %sign3A_545 : i32
      %ne3A_547 = arith.cmpi ne, %sign3A_539, %sign3A_546 : i32
      %rem3A_548 = arith.remsi %add3A_530, %jit3A_531 : i32
      %ne3A_549 = arith.constant 0 : i32
      %ne3A_550 = arith.cmpi ne, %rem3A_548, %ne3A_549 : i32
      %and3A_551 = arith.andi %ne3A_547, %ne3A_550 : i1
      %sub3A_552 = arith.constant 1 : i32
      %sub3A_553 = arith.subi %div3A_532, %sub3A_552 : i32
      %select_n3A_554 = arith.select %and3A_551, %sub3A_553, %div3A_532 : i32
      %mul3A_555 = arith.constant 16384 : i32
      %mul3A_556 = arith.muli %select_n3A_554, %mul3A_555 : i32
      %jit3A_557 = arith.constant 16384 : i32
      %eq3A_558 = arith.constant 0 : i32
      %eq3A_559 = arith.cmpi eq, %jit3A_557, %eq3A_558 : i32
      %jit3A_560 = arith.constant 1 : i32
      %select_n3A_561 = arith.select %eq3A_559, %jit3A_560, %jit3A_557 : i32
      %rem3A_562 = arith.remsi %add3A_530, %select_n3A_561 : i32
      %ne3A_563 = arith.constant 0 : i32
      %ne3A_564 = arith.cmpi ne, %rem3A_562, %ne3A_563 : i32
      %lt3A_565 = arith.constant 0 : i32
      %lt3A_566 = arith.cmpi slt, %rem3A_562, %lt3A_565 : i32
      %lt3A_567 = arith.constant 0 : i32
      %lt3A_568 = arith.cmpi slt, %select_n3A_561, %lt3A_567 : i32
      %ne3A_569 = arith.xori %lt3A_566, %lt3A_568 : i1
      %and3A_570 = arith.andi %ne3A_569, %ne3A_564 : i1
      %add3A_571 = arith.addi %rem3A_562, %select_n3A_561 : i32
      %select_n3A_572 = arith.select %and3A_570, %add3A_571, %rem3A_562 : i32
      %jit3A_573 = arith.constant 4 : i32
      %div3A_574 = arith.divsi %select_n3A_572, %jit3A_573 : i32
      %sign3A_575 = arith.constant 0 : i32
      %sign3A_576 = arith.cmpi sgt, %select_n3A_572, %sign3A_575 : i32
      %sign3A_577 = arith.extui %sign3A_576 : i1 to i32
      %sign3A_578 = arith.constant 0 : i32
      %sign3A_579 = arith.cmpi slt, %select_n3A_572, %sign3A_578 : i32
      %sign3A_580 = arith.extui %sign3A_579 : i1 to i32
      %sign3A_581 = arith.subi %sign3A_577, %sign3A_580 : i32
      %sign3A_582 = arith.constant 0 : i32
      %sign3A_583 = arith.cmpi sgt, %jit3A_573, %sign3A_582 : i32
      %sign3A_584 = arith.extui %sign3A_583 : i1 to i32
      %sign3A_585 = arith.constant 0 : i32
      %sign3A_586 = arith.cmpi slt, %jit3A_573, %sign3A_585 : i32
      %sign3A_587 = arith.extui %sign3A_586 : i1 to i32
      %sign3A_588 = arith.subi %sign3A_584, %sign3A_587 : i32
      %ne3A_589 = arith.cmpi ne, %sign3A_581, %sign3A_588 : i32
      %rem3A_590 = arith.remsi %select_n3A_572, %jit3A_573 : i32
      %ne3A_591 = arith.constant 0 : i32
      %ne3A_592 = arith.cmpi ne, %rem3A_590, %ne3A_591 : i32
      %and3A_593 = arith.andi %ne3A_589, %ne3A_592 : i1
      %sub3A_594 = arith.constant 1 : i32
      %sub3A_595 = arith.subi %div3A_574, %sub3A_594 : i32
      %select_n3A_596 = arith.select %and3A_593, %sub3A_595, %div3A_574 : i32
      %add3A_597 = arith.addi %mul3A_556, %select_n3A_596 : i32
      %multiple_of3A_598 = tpu.assume_multiple %add3A_597, 256 : i32
      %add3A_599 = arith.constant 0 : i32
      %add3A_600 = arith.addi %multiple_of3A_598, %add3A_599 : i32
      %dma_start3A_601 = arith.constant 0 : i32
      %dma_start3A_602 = tpu.memref_slice %arg5[%dma_start3A_601] : memref<1024xi32, #tpu.memory_space<vmem>> -> memref<256xi32, #tpu.memory_space<vmem>>
      %dma_start3A_603 = tpu.memref_slice %arg2[%add3A_600] : memref<3276800xi32, #tpu.memory_space<hbm>> -> memref<256xi32, #tpu.memory_space<hbm>>
      %dma_start3A_604 = arith.constant 0 : i32
      %dma_start3A_605 = tpu.memref_slice %arg5[%dma_start3A_604] : memref<1024xi32, #tpu.memory_space<vmem>> -> memref<256xi32, #tpu.memory_space<vmem>>
      %dma_start3A_606 = tpu.memref_slice %arg2[%add3A_600] : memref<3276800xi32, #tpu.memory_space<hbm>> -> memref<256xi32, #tpu.memory_space<hbm>>
      tpu.enqueue_dma source(%dma_start3A_606 : memref<256xi32, #tpu.memory_space<hbm>>) target(%dma_start3A_605 : memref<256xi32, #tpu.memory_space<vmem>>) target_semaphore(%arg11 : memref<!tpu.dma_semaphore, #tpu.memory_space<semaphore_mem>>)
      %add3A_607 = arith.constant 4096 : i32
      %add3A_608 = arith.addi %multiple_of3A_598, %add3A_607 : i32
      %dma_start3A_609 = arith.constant 256 : i32
      %dma_start3A_610 = tpu.memref_slice %arg5[%dma_start3A_609] : memref<1024xi32, #tpu.memory_space<vmem>> -> memref<256xi32, #tpu.memory_space<vmem>>
      %dma_start3A_611 = tpu.memref_slice %arg2[%add3A_608] : memref<3276800xi32, #tpu.memory_space<hbm>> -> memref<256xi32, #tpu.memory_space<hbm>>
      %dma_start3A_612 = arith.constant 256 : i32
      %dma_start3A_613 = tpu.memref_slice %arg5[%dma_start3A_612] : memref<1024xi32, #tpu.memory_space<vmem>> -> memref<256xi32, #tpu.memory_space<vmem>>
      %dma_start3A_614 = tpu.memref_slice %arg2[%add3A_608] : memref<3276800xi32, #tpu.memory_space<hbm>> -> memref<256xi32, #tpu.memory_space<hbm>>
      tpu.enqueue_dma source(%dma_start3A_614 : memref<256xi32, #tpu.memory_space<hbm>>) target(%dma_start3A_613 : memref<256xi32, #tpu.memory_space<vmem>>) target_semaphore(%arg11 : memref<!tpu.dma_semaphore, #tpu.memory_space<semaphore_mem>>)
      %add3A_615 = arith.constant 8192 : i32
      %add3A_616 = arith.addi %multiple_of3A_598, %add3A_615 : i32
      %dma_start3A_617 = arith.constant 512 : i32
      %dma_start3A_618 = tpu.memref_slice %arg5[%dma_start3A_617] : memref<1024xi32, #tpu.memory_space<vmem>> -> memref<256xi32, #tpu.memory_space<vmem>>
      %dma_start3A_619 = tpu.memref_slice %arg2[%add3A_616] : memref<3276800xi32, #tpu.memory_space<hbm>> -> memref<256xi32, #tpu.memory_space<hbm>>
      %dma_start3A_620 = arith.constant 512 : i32
      %dma_start3A_621 = tpu.memref_slice %arg5[%dma_start3A_620] : memref<1024xi32, #tpu.memory_space<vmem>> -> memref<256xi32, #tpu.memory_space<vmem>>
      %dma_start3A_622 = tpu.memref_slice %arg2[%add3A_616] : memref<3276800xi32, #tpu.memory_space<hbm>> -> memref<256xi32, #tpu.memory_space<hbm>>
      tpu.enqueue_dma source(%dma_start3A_622 : memref<256xi32, #tpu.memory_space<hbm>>) target(%dma_start3A_621 : memref<256xi32, #tpu.memory_space<vmem>>) target_semaphore(%arg11 : memref<!tpu.dma_semaphore, #tpu.memory_space<semaphore_mem>>)
      %add3A_623 = arith.constant 12288 : i32
      %add3A_624 = arith.addi %multiple_of3A_598, %add3A_623 : i32
      %dma_start3A_625 = arith.constant 768 : i32
      %dma_start3A_626 = tpu.memref_slice %arg5[%dma_start3A_625] : memref<1024xi32, #tpu.memory_space<vmem>> -> memref<256xi32, #tpu.memory_space<vmem>>
      %dma_start3A_627 = tpu.memref_slice %arg2[%add3A_624] : memref<3276800xi32, #tpu.memory_space<hbm>> -> memref<256xi32, #tpu.memory_space<hbm>>
      %dma_start3A_628 = arith.constant 768 : i32
      %dma_start3A_629 = tpu.memref_slice %arg5[%dma_start3A_628] : memref<1024xi32, #tpu.memory_space<vmem>> -> memref<256xi32, #tpu.memory_space<vmem>>
      %dma_start3A_630 = tpu.memref_slice %arg2[%add3A_624] : memref<3276800xi32, #tpu.memory_space<hbm>> -> memref<256xi32, #tpu.memory_space<hbm>>
      tpu.enqueue_dma source(%dma_start3A_630 : memref<256xi32, #tpu.memory_space<hbm>>) target(%dma_start3A_629 : memref<256xi32, #tpu.memory_space<vmem>>) target_semaphore(%arg11 : memref<!tpu.dma_semaphore, #tpu.memory_space<semaphore_mem>>)
      %dma_wait3A_631 = arith.constant 0 : i32
      %dma_wait3A_632 = arith.constant 0 : i32
      %dma_wait3A_633 = tpu.memref_slice %arg3[%dma_wait3A_631, %dma_wait3A_632] : memref<1000000x32xf32, #tpu.memory_space<hbm>> -> memref<1024x32xf32, #tpu.memory_space<hbm>>
      %dma_wait3A_634 = arith.constant 0 : i32
      %dma_wait3A_635 = arith.constant 0 : i32
      %dma_wait3A_636 = tpu.memref_slice %arg3[%dma_wait3A_634, %dma_wait3A_635] : memref<1000000x32xf32, #tpu.memory_space<hbm>> -> memref<1024x32xf32, #tpu.memory_space<hbm>>
      tpu.wait_dma2 semaphore(%arg14 : memref<!tpu.dma_semaphore, #tpu.memory_space<semaphore_mem>>) src(%dma_wait3A_636 : memref<1024x32xf32, #tpu.memory_space<hbm>>) dst(%arg10 : memref<1024x32xf32, #tpu.memory_space<vmem>>)
      %add3A_637 = arith.constant 1 : i32
      %add3A_638 = arith.addi %mul3A_480, %add3A_637 : i32
      %mul3A_639 = arith.constant 1024 : i32
      %mul3A_640 = arith.muli %add3A_638, %mul3A_639 : i32
      %add3A_641 = arith.addi %mul3A_2, %mul3A_640 : i32
      %dma_start3A_642 = arith.constant 0 : i32
      %dma_start3A_643 = tpu.memref_slice %arg4[%add3A_641, %dma_start3A_642] : memref<3276800x32xf32, #tpu.memory_space<hbm>> -> memref<1024x32xf32, #tpu.memory_space<hbm>>
      %dma_start3A_644 = arith.constant 0 : i32
      %dma_start3A_645 = tpu.memref_slice %arg4[%add3A_641, %dma_start3A_644] : memref<3276800x32xf32, #tpu.memory_space<hbm>> -> memref<1024x32xf32, #tpu.memory_space<hbm>>
      tpu.enqueue_dma source(%arg10 : memref<1024x32xf32, #tpu.memory_space<vmem>>) target(%dma_start3A_645 : memref<1024x32xf32, #tpu.memory_space<hbm>>) target_semaphore(%arg16 : memref<!tpu.dma_semaphore, #tpu.memory_space<semaphore_mem>>)
      %add3A_646 = arith.constant 3 : i32
      %add3A_647 = arith.addi %mul3A_480, %add3A_646 : i32
      %min3A_648 = arith.constant 99 : i32
      %min3A_649 = arith.minsi %add3A_647, %min3A_648 : i32
      %mul3A_650 = arith.constant 1024 : i32
      %mul3A_651 = arith.muli %min3A_649, %mul3A_650 : i32
      %add3A_652 = arith.addi %mul3A_2, %mul3A_651 : i32
      %jit3A_653 = arith.constant 16384 : i32
      %div3A_654 = arith.divsi %add3A_652, %jit3A_653 : i32
      %sign3A_655 = arith.constant 0 : i32
      %sign3A_656 = arith.cmpi sgt, %add3A_652, %sign3A_655 : i32
      %sign3A_657 = arith.extui %sign3A_656 : i1 to i32
      %sign3A_658 = arith.constant 0 : i32
      %sign3A_659 = arith.cmpi slt, %add3A_652, %sign3A_658 : i32
      %sign3A_660 = arith.extui %sign3A_659 : i1 to i32
      %sign3A_661 = arith.subi %sign3A_657, %sign3A_660 : i32
      %sign3A_662 = arith.constant 0 : i32
      %sign3A_663 = arith.cmpi sgt, %jit3A_653, %sign3A_662 : i32
      %sign3A_664 = arith.extui %sign3A_663 : i1 to i32
      %sign3A_665 = arith.constant 0 : i32
      %sign3A_666 = arith.cmpi slt, %jit3A_653, %sign3A_665 : i32
      %sign3A_667 = arith.extui %sign3A_666 : i1 to i32
      %sign3A_668 = arith.subi %sign3A_664, %sign3A_667 : i32
      %ne3A_669 = arith.cmpi ne, %sign3A_661, %sign3A_668 : i32
      %rem3A_670 = arith.remsi %add3A_652, %jit3A_653 : i32
      %ne3A_671 = arith.constant 0 : i32
      %ne3A_672 = arith.cmpi ne, %rem3A_670, %ne3A_671 : i32
      %and3A_673 = arith.andi %ne3A_669, %ne3A_672 : i1
      %sub3A_674 = arith.constant 1 : i32
      %sub3A_675 = arith.subi %div3A_654, %sub3A_674 : i32
      %select_n3A_676 = arith.select %and3A_673, %sub3A_675, %div3A_654 : i32
      %mul3A_677 = arith.constant 16384 : i32
      %mul3A_678 = arith.muli %select_n3A_676, %mul3A_677 : i32
      %jit3A_679 = arith.constant 16384 : i32
      %eq3A_680 = arith.constant 0 : i32
      %eq3A_681 = arith.cmpi eq, %jit3A_679, %eq3A_680 : i32
      %jit3A_682 = arith.constant 1 : i32
      %select_n3A_683 = arith.select %eq3A_681, %jit3A_682, %jit3A_679 : i32
      %rem3A_684 = arith.remsi %add3A_652, %select_n3A_683 : i32
      %ne3A_685 = arith.constant 0 : i32
      %ne3A_686 = arith.cmpi ne, %rem3A_684, %ne3A_685 : i32
      %lt3A_687 = arith.constant 0 : i32
      %lt3A_688 = arith.cmpi slt, %rem3A_684, %lt3A_687 : i32
      %lt3A_689 = arith.constant 0 : i32
      %lt3A_690 = arith.cmpi slt, %select_n3A_683, %lt3A_689 : i32
      %ne3A_691 = arith.xori %lt3A_688, %lt3A_690 : i1
      %and3A_692 = arith.andi %ne3A_691, %ne3A_686 : i1
      %add3A_693 = arith.addi %rem3A_684, %select_n3A_683 : i32
      %select_n3A_694 = arith.select %and3A_692, %add3A_693, %rem3A_684 : i32
      %jit3A_695 = arith.constant 4 : i32
      %div3A_696 = arith.divsi %select_n3A_694, %jit3A_695 : i32
      %sign3A_697 = arith.constant 0 : i32
      %sign3A_698 = arith.cmpi sgt, %select_n3A_694, %sign3A_697 : i32
      %sign3A_699 = arith.extui %sign3A_698 : i1 to i32
      %sign3A_700 = arith.constant 0 : i32
      %sign3A_701 = arith.cmpi slt, %select_n3A_694, %sign3A_700 : i32
      %sign3A_702 = arith.extui %sign3A_701 : i1 to i32
      %sign3A_703 = arith.subi %sign3A_699, %sign3A_702 : i32
      %sign3A_704 = arith.constant 0 : i32
      %sign3A_705 = arith.cmpi sgt, %jit3A_695, %sign3A_704 : i32
      %sign3A_706 = arith.extui %sign3A_705 : i1 to i32
      %sign3A_707 = arith.constant 0 : i32
      %sign3A_708 = arith.cmpi slt, %jit3A_695, %sign3A_707 : i32
      %sign3A_709 = arith.extui %sign3A_708 : i1 to i32
      %sign3A_710 = arith.subi %sign3A_706, %sign3A_709 : i32
      %ne3A_711 = arith.cmpi ne, %sign3A_703, %sign3A_710 : i32
      %rem3A_712 = arith.remsi %select_n3A_694, %jit3A_695 : i32
      %ne3A_713 = arith.constant 0 : i32
      %ne3A_714 = arith.cmpi ne, %rem3A_712, %ne3A_713 : i32
      %and3A_715 = arith.andi %ne3A_711, %ne3A_714 : i1
      %sub3A_716 = arith.constant 1 : i32
      %sub3A_717 = arith.subi %div3A_696, %sub3A_716 : i32
      %select_n3A_718 = arith.select %and3A_715, %sub3A_717, %div3A_696 : i32
      %add3A_719 = arith.addi %mul3A_678, %select_n3A_718 : i32
      %multiple_of3A_720 = tpu.assume_multiple %add3A_719, 256 : i32
      %add3A_721 = arith.constant 0 : i32
      %add3A_722 = arith.addi %multiple_of3A_720, %add3A_721 : i32
      %dma_start3A_723 = arith.constant 0 : i32
      %dma_start3A_724 = tpu.memref_slice %arg6[%dma_start3A_723] : memref<1024xi32, #tpu.memory_space<vmem>> -> memref<256xi32, #tpu.memory_space<vmem>>
      %dma_start3A_725 = tpu.memref_slice %arg2[%add3A_722] : memref<3276800xi32, #tpu.memory_space<hbm>> -> memref<256xi32, #tpu.memory_space<hbm>>
      %dma_start3A_726 = arith.constant 0 : i32
      %dma_start3A_727 = tpu.memref_slice %arg6[%dma_start3A_726] : memref<1024xi32, #tpu.memory_space<vmem>> -> memref<256xi32, #tpu.memory_space<vmem>>
      %dma_start3A_728 = tpu.memref_slice %arg2[%add3A_722] : memref<3276800xi32, #tpu.memory_space<hbm>> -> memref<256xi32, #tpu.memory_space<hbm>>
      tpu.enqueue_dma source(%dma_start3A_728 : memref<256xi32, #tpu.memory_space<hbm>>) target(%dma_start3A_727 : memref<256xi32, #tpu.memory_space<vmem>>) target_semaphore(%arg12 : memref<!tpu.dma_semaphore, #tpu.memory_space<semaphore_mem>>)
      %add3A_729 = arith.constant 4096 : i32
      %add3A_730 = arith.addi %multiple_of3A_720, %add3A_729 : i32
      %dma_start3A_731 = arith.constant 256 : i32
      %dma_start3A_732 = tpu.memref_slice %arg6[%dma_start3A_731] : memref<1024xi32, #tpu.memory_space<vmem>> -> memref<256xi32, #tpu.memory_space<vmem>>
      %dma_start3A_733 = tpu.memref_slice %arg2[%add3A_730] : memref<3276800xi32, #tpu.memory_space<hbm>> -> memref<256xi32, #tpu.memory_space<hbm>>
      %dma_start3A_734 = arith.constant 256 : i32
      %dma_start3A_735 = tpu.memref_slice %arg6[%dma_start3A_734] : memref<1024xi32, #tpu.memory_space<vmem>> -> memref<256xi32, #tpu.memory_space<vmem>>
      %dma_start3A_736 = tpu.memref_slice %arg2[%add3A_730] : memref<3276800xi32, #tpu.memory_space<hbm>> -> memref<256xi32, #tpu.memory_space<hbm>>
      tpu.enqueue_dma source(%dma_start3A_736 : memref<256xi32, #tpu.memory_space<hbm>>) target(%dma_start3A_735 : memref<256xi32, #tpu.memory_space<vmem>>) target_semaphore(%arg12 : memref<!tpu.dma_semaphore, #tpu.memory_space<semaphore_mem>>)
      %add3A_737 = arith.constant 8192 : i32
      %add3A_738 = arith.addi %multiple_of3A_720, %add3A_737 : i32
      %dma_start3A_739 = arith.constant 512 : i32
      %dma_start3A_740 = tpu.memref_slice %arg6[%dma_start3A_739] : memref<1024xi32, #tpu.memory_space<vmem>> -> memref<256xi32, #tpu.memory_space<vmem>>
      %dma_start3A_741 = tpu.memref_slice %arg2[%add3A_738] : memref<3276800xi32, #tpu.memory_space<hbm>> -> memref<256xi32, #tpu.memory_space<hbm>>
      %dma_start3A_742 = arith.constant 512 : i32
      %dma_start3A_743 = tpu.memref_slice %arg6[%dma_start3A_742] : memref<1024xi32, #tpu.memory_space<vmem>> -> memref<256xi32, #tpu.memory_space<vmem>>
      %dma_start3A_744 = tpu.memref_slice %arg2[%add3A_738] : memref<3276800xi32, #tpu.memory_space<hbm>> -> memref<256xi32, #tpu.memory_space<hbm>>
      tpu.enqueue_dma source(%dma_start3A_744 : memref<256xi32, #tpu.memory_space<hbm>>) target(%dma_start3A_743 : memref<256xi32, #tpu.memory_space<vmem>>) target_semaphore(%arg12 : memref<!tpu.dma_semaphore, #tpu.memory_space<semaphore_mem>>)
      %add3A_745 = arith.constant 12288 : i32
      %add3A_746 = arith.addi %multiple_of3A_720, %add3A_745 : i32
      %dma_start3A_747 = arith.constant 768 : i32
      %dma_start3A_748 = tpu.memref_slice %arg6[%dma_start3A_747] : memref<1024xi32, #tpu.memory_space<vmem>> -> memref<256xi32, #tpu.memory_space<vmem>>
      %dma_start3A_749 = tpu.memref_slice %arg2[%add3A_746] : memref<3276800xi32, #tpu.memory_space<hbm>> -> memref<256xi32, #tpu.memory_space<hbm>>
      %dma_start3A_750 = arith.constant 768 : i32
      %dma_start3A_751 = tpu.memref_slice %arg6[%dma_start3A_750] : memref<1024xi32, #tpu.memory_space<vmem>> -> memref<256xi32, #tpu.memory_space<vmem>>
      %dma_start3A_752 = tpu.memref_slice %arg2[%add3A_746] : memref<3276800xi32, #tpu.memory_space<hbm>> -> memref<256xi32, #tpu.memory_space<hbm>>
      tpu.enqueue_dma source(%dma_start3A_752 : memref<256xi32, #tpu.memory_space<hbm>>) target(%dma_start3A_751 : memref<256xi32, #tpu.memory_space<vmem>>) target_semaphore(%arg12 : memref<!tpu.dma_semaphore, #tpu.memory_space<semaphore_mem>>)
    }
    %scan3A_461 = arith.constant 49 : i32
    %dma_wait3A_462 = tpu.memref_slice %arg2[%mul3A_2] : memref<3276800xi32, #tpu.memory_space<hbm>> -> memref<1024xi32, #tpu.memory_space<hbm>>
    %dma_wait3A_463 = tpu.memref_slice %arg2[%mul3A_2] : memref<3276800xi32, #tpu.memory_space<hbm>> -> memref<1024xi32, #tpu.memory_space<hbm>>
    tpu.wait_dma2 semaphore(%arg11 : memref<!tpu.dma_semaphore, #tpu.memory_space<semaphore_mem>>) src(%dma_wait3A_463 : memref<1024xi32, #tpu.memory_space<hbm>>) dst(%arg5 : memref<1024xi32, #tpu.memory_space<vmem>>)
    %dma_wait3A_464 = tpu.memref_slice %arg2[%mul3A_2] : memref<3276800xi32, #tpu.memory_space<hbm>> -> memref<1024xi32, #tpu.memory_space<hbm>>
    %dma_wait3A_465 = tpu.memref_slice %arg2[%mul3A_2] : memref<3276800xi32, #tpu.memory_space<hbm>> -> memref<1024xi32, #tpu.memory_space<hbm>>
    tpu.wait_dma2 semaphore(%arg12 : memref<!tpu.dma_semaphore, #tpu.memory_space<semaphore_mem>>) src(%dma_wait3A_465 : memref<1024xi32, #tpu.memory_space<hbm>>) dst(%arg6 : memref<1024xi32, #tpu.memory_space<vmem>>)
    %dma_wait3A_466 = arith.constant 0 : i32
    %dma_wait3A_467 = tpu.memref_slice %arg4[%mul3A_2, %dma_wait3A_466] : memref<3276800x32xf32, #tpu.memory_space<hbm>> -> memref<1024x32xf32, #tpu.memory_space<hbm>>
    %dma_wait3A_468 = arith.constant 0 : i32
    %dma_wait3A_469 = tpu.memref_slice %arg4[%mul3A_2, %dma_wait3A_468] : memref<3276800x32xf32, #tpu.memory_space<hbm>> -> memref<1024x32xf32, #tpu.memory_space<hbm>>
    tpu.wait_dma2 semaphore(%arg15 : memref<!tpu.dma_semaphore, #tpu.memory_space<semaphore_mem>>) src(%arg9 : memref<1024x32xf32, #tpu.memory_space<vmem>>) dst(%dma_wait3A_469 : memref<1024x32xf32, #tpu.memory_space<hbm>>)
    %dma_wait3A_470 = arith.constant 0 : i32
    %dma_wait3A_471 = tpu.memref_slice %arg4[%mul3A_2, %dma_wait3A_470] : memref<3276800x32xf32, #tpu.memory_space<hbm>> -> memref<1024x32xf32, #tpu.memory_space<hbm>>
    %dma_wait3A_472 = arith.constant 0 : i32
    %dma_wait3A_473 = tpu.memref_slice %arg4[%mul3A_2, %dma_wait3A_472] : memref<3276800x32xf32, #tpu.memory_space<hbm>> -> memref<1024x32xf32, #tpu.memory_space<hbm>>
    tpu.wait_dma2 semaphore(%arg16 : memref<!tpu.dma_semaphore, #tpu.memory_space<semaphore_mem>>) src(%arg10 : memref<1024x32xf32, #tpu.memory_space<vmem>>) dst(%dma_wait3A_473 : memref<1024x32xf32, #tpu.memory_space<hbm>>)
    return
  }
}

module attributes {stable_mosaic.version = 14 : i64} {
  func.func @tc_kernel(%arg0: i32, %arg1: memref<200x4096x128xf32, #tpu.memory_space<any>>, %arg2: memref<200x32x4x32x128xf32, #tpu.memory_space<any>>, %arg3: memref<4096x128xf32, #tpu.memory_space<vmem>>, %arg4: memref<4096x128xf32, #tpu.memory_space<vmem>>, %arg5: memref<128x32x128xf32, #tpu.memory_space<vmem>>, %arg6: memref<128x32x128xf32, #tpu.memory_space<vmem>>, %arg7: memref<!tpu.dma_semaphore, #tpu.memory_space<semaphore_mem>>, %arg8: memref<!tpu.dma_semaphore, #tpu.memory_space<semaphore_mem>>, %arg9: memref<!tpu.dma_semaphore, #tpu.memory_space<semaphore_mem>>, %arg10: memref<!tpu.dma_semaphore, #tpu.memory_space<semaphore_mem>>) attributes {dimension_semantics = [#tpu.dimension_semantics<parallel>], iteration_bounds = array<i64: 2>, scalar_prefetch = 0 : i64, scratch_operands = 8 : i64, tpu.core_type = #tpu.core_type<tc>, window_params = [{}, {}]} {
    %mul3A = arith.constant 100 : i32
    %mul3A_0 = arith.muli %arg0, %mul3A : i32
    %min3A = arith.constant 0 : i32
    %min3A_1 = arith.constant 99 : i32
    %min3A_2 = arith.minsi %min3A, %min3A_1 : i32
    %add3A = arith.addi %mul3A_0, %min3A_2 : i32
    %dma_start3A = arith.constant 0 : i32
    %dma_start3A_3 = arith.constant 0 : i32
    %dma_start3A_4 = tpu.memref_slice %arg1[%add3A, %dma_start3A, %dma_start3A_3] : memref<200x4096x128xf32, #tpu.memory_space<any>> -> memref<1x4096x128xf32, #tpu.memory_space<any>>
    %dma_start3A_5 = tpu.memref_squeeze %dma_start3A_4 : memref<1x4096x128xf32, #tpu.memory_space<any>> -> memref<4096x128xf32, #tpu.memory_space<any>>
    tpu.enqueue_dma source(%dma_start3A_5 : memref<4096x128xf32, #tpu.memory_space<any>>) target(%arg3 : memref<4096x128xf32, #tpu.memory_space<vmem>>) target_semaphore(%arg7 : memref<!tpu.dma_semaphore, #tpu.memory_space<semaphore_mem>>)
    %min3A_6 = arith.constant 1 : i32
    %min3A_7 = arith.constant 99 : i32
    %min3A_8 = arith.minsi %min3A_6, %min3A_7 : i32
    %add3A_9 = arith.addi %mul3A_0, %min3A_8 : i32
    %dma_start3A_10 = arith.constant 0 : i32
    %dma_start3A_11 = arith.constant 0 : i32
    %dma_start3A_12 = tpu.memref_slice %arg1[%add3A_9, %dma_start3A_10, %dma_start3A_11] : memref<200x4096x128xf32, #tpu.memory_space<any>> -> memref<1x4096x128xf32, #tpu.memory_space<any>>
    %dma_start3A_13 = tpu.memref_squeeze %dma_start3A_12 : memref<1x4096x128xf32, #tpu.memory_space<any>> -> memref<4096x128xf32, #tpu.memory_space<any>>
    tpu.enqueue_dma source(%dma_start3A_13 : memref<4096x128xf32, #tpu.memory_space<any>>) target(%arg4 : memref<4096x128xf32, #tpu.memory_space<vmem>>) target_semaphore(%arg8 : memref<!tpu.dma_semaphore, #tpu.memory_space<semaphore_mem>>)
    %dma_wait3A = arith.constant 0 : i32
    %dma_wait3A_14 = arith.constant 0 : i32
    %dma_wait3A_15 = arith.constant 0 : i32
    %dma_wait3A_16 = tpu.memref_slice %arg1[%dma_wait3A, %dma_wait3A_14, %dma_wait3A_15] : memref<200x4096x128xf32, #tpu.memory_space<any>> -> memref<1x4096x128xf32, #tpu.memory_space<any>>
    %dma_wait3A_17 = tpu.memref_squeeze %dma_wait3A_16 : memref<1x4096x128xf32, #tpu.memory_space<any>> -> memref<4096x128xf32, #tpu.memory_space<any>>
    tpu.wait_dma2 semaphore(%arg7 : memref<!tpu.dma_semaphore, #tpu.memory_space<semaphore_mem>>) src(%dma_wait3A_17 : memref<4096x128xf32, #tpu.memory_space<any>>) dst(%arg3 : memref<4096x128xf32, #tpu.memory_space<vmem>>)
    %get3A = arith.constant 0 : index
    %get3A_18 = arith.constant 0 : index
    %get3A_19 = vector.load %arg3[%get3A, %get3A_18] : memref<4096x128xf32, #tpu.memory_space<vmem>>, vector<512x128xf32>
    %transpose3A = tpu.transpose %get3A_19, [1, 0] : vector<512x128xf32> -> vector<128x512xf32>
    %reshape3A = vector.shape_cast %transpose3A : vector<128x512xf32> to vector<128x4x128xf32>
    %swap3A = arith.constant 0 : index
    %swap3A_20 = arith.constant 0 : index
    %swap3A_21 = arith.constant 0 : index
    %swap3A_22 = vector.load %arg5[%swap3A, %swap3A_20, %swap3A_21] : memref<128x32x128xf32, #tpu.memory_space<vmem>>, vector<128x4x128xf32>
    tpu.vector_store %arg5[%swap3A, %swap3A_20, %swap3A_21], %reshape3A {strides = array<i32>} : memref<128x32x128xf32, #tpu.memory_space<vmem>>, vector<128x4x128xf32>,
    %get3A_23 = arith.constant 512 : index
    %get3A_24 = arith.constant 0 : index
    %get3A_25 = vector.load %arg3[%get3A_23, %get3A_24] : memref<4096x128xf32, #tpu.memory_space<vmem>>, vector<512x128xf32>
    %transpose3A_26 = tpu.transpose %get3A_25, [1, 0] : vector<512x128xf32> -> vector<128x512xf32>
    %reshape3A_27 = vector.shape_cast %transpose3A_26 : vector<128x512xf32> to vector<128x4x128xf32>
    %swap3A_28 = arith.constant 0 : index
    %swap3A_29 = arith.constant 4 : index
    %swap3A_30 = arith.constant 0 : index
    %swap3A_31 = vector.load %arg5[%swap3A_28, %swap3A_29, %swap3A_30] : memref<128x32x128xf32, #tpu.memory_space<vmem>>, vector<128x4x128xf32>
    tpu.vector_store %arg5[%swap3A_28, %swap3A_29, %swap3A_30], %reshape3A_27 {strides = array<i32>} : memref<128x32x128xf32, #tpu.memory_space<vmem>>, vector<128x4x128xf32>,
    %get3A_32 = arith.constant 1024 : index
    %get3A_33 = arith.constant 0 : index
    %get3A_34 = vector.load %arg3[%get3A_32, %get3A_33] : memref<4096x128xf32, #tpu.memory_space<vmem>>, vector<512x128xf32>
    %transpose3A_35 = tpu.transpose %get3A_34, [1, 0] : vector<512x128xf32> -> vector<128x512xf32>
    %reshape3A_36 = vector.shape_cast %transpose3A_35 : vector<128x512xf32> to vector<128x4x128xf32>
    %swap3A_37 = arith.constant 0 : index
    %swap3A_38 = arith.constant 8 : index
    %swap3A_39 = arith.constant 0 : index
    %swap3A_40 = vector.load %arg5[%swap3A_37, %swap3A_38, %swap3A_39] : memref<128x32x128xf32, #tpu.memory_space<vmem>>, vector<128x4x128xf32>
    tpu.vector_store %arg5[%swap3A_37, %swap3A_38, %swap3A_39], %reshape3A_36 {strides = array<i32>} : memref<128x32x128xf32, #tpu.memory_space<vmem>>, vector<128x4x128xf32>,
    %get3A_41 = arith.constant 1536 : index
    %get3A_42 = arith.constant 0 : index
    %get3A_43 = vector.load %arg3[%get3A_41, %get3A_42] : memref<4096x128xf32, #tpu.memory_space<vmem>>, vector<512x128xf32>
    %transpose3A_44 = tpu.transpose %get3A_43, [1, 0] : vector<512x128xf32> -> vector<128x512xf32>
    %reshape3A_45 = vector.shape_cast %transpose3A_44 : vector<128x512xf32> to vector<128x4x128xf32>
    %swap3A_46 = arith.constant 0 : index
    %swap3A_47 = arith.constant 12 : index
    %swap3A_48 = arith.constant 0 : index
    %swap3A_49 = vector.load %arg5[%swap3A_46, %swap3A_47, %swap3A_48] : memref<128x32x128xf32, #tpu.memory_space<vmem>>, vector<128x4x128xf32>
    tpu.vector_store %arg5[%swap3A_46, %swap3A_47, %swap3A_48], %reshape3A_45 {strides = array<i32>} : memref<128x32x128xf32, #tpu.memory_space<vmem>>, vector<128x4x128xf32>,
    %get3A_50 = arith.constant 2048 : index
    %get3A_51 = arith.constant 0 : index
    %get3A_52 = vector.load %arg3[%get3A_50, %get3A_51] : memref<4096x128xf32, #tpu.memory_space<vmem>>, vector<512x128xf32>
    %transpose3A_53 = tpu.transpose %get3A_52, [1, 0] : vector<512x128xf32> -> vector<128x512xf32>
    %reshape3A_54 = vector.shape_cast %transpose3A_53 : vector<128x512xf32> to vector<128x4x128xf32>
    %swap3A_55 = arith.constant 0 : index
    %swap3A_56 = arith.constant 16 : index
    %swap3A_57 = arith.constant 0 : index
    %swap3A_58 = vector.load %arg5[%swap3A_55, %swap3A_56, %swap3A_57] : memref<128x32x128xf32, #tpu.memory_space<vmem>>, vector<128x4x128xf32>
    tpu.vector_store %arg5[%swap3A_55, %swap3A_56, %swap3A_57], %reshape3A_54 {strides = array<i32>} : memref<128x32x128xf32, #tpu.memory_space<vmem>>, vector<128x4x128xf32>,
    %get3A_59 = arith.constant 2560 : index
    %get3A_60 = arith.constant 0 : index
    %get3A_61 = vector.load %arg3[%get3A_59, %get3A_60] : memref<4096x128xf32, #tpu.memory_space<vmem>>, vector<512x128xf32>
    %transpose3A_62 = tpu.transpose %get3A_61, [1, 0] : vector<512x128xf32> -> vector<128x512xf32>
    %reshape3A_63 = vector.shape_cast %transpose3A_62 : vector<128x512xf32> to vector<128x4x128xf32>
    %swap3A_64 = arith.constant 0 : index
    %swap3A_65 = arith.constant 20 : index
    %swap3A_66 = arith.constant 0 : index
    %swap3A_67 = vector.load %arg5[%swap3A_64, %swap3A_65, %swap3A_66] : memref<128x32x128xf32, #tpu.memory_space<vmem>>, vector<128x4x128xf32>
    tpu.vector_store %arg5[%swap3A_64, %swap3A_65, %swap3A_66], %reshape3A_63 {strides = array<i32>} : memref<128x32x128xf32, #tpu.memory_space<vmem>>, vector<128x4x128xf32>,
    %get3A_68 = arith.constant 3072 : index
    %get3A_69 = arith.constant 0 : index
    %get3A_70 = vector.load %arg3[%get3A_68, %get3A_69] : memref<4096x128xf32, #tpu.memory_space<vmem>>, vector<512x128xf32>
    %transpose3A_71 = tpu.transpose %get3A_70, [1, 0] : vector<512x128xf32> -> vector<128x512xf32>
    %reshape3A_72 = vector.shape_cast %transpose3A_71 : vector<128x512xf32> to vector<128x4x128xf32>
    %swap3A_73 = arith.constant 0 : index
    %swap3A_74 = arith.constant 24 : index
    %swap3A_75 = arith.constant 0 : index
    %swap3A_76 = vector.load %arg5[%swap3A_73, %swap3A_74, %swap3A_75] : memref<128x32x128xf32, #tpu.memory_space<vmem>>, vector<128x4x128xf32>
    tpu.vector_store %arg5[%swap3A_73, %swap3A_74, %swap3A_75], %reshape3A_72 {strides = array<i32>} : memref<128x32x128xf32, #tpu.memory_space<vmem>>, vector<128x4x128xf32>,
    %get3A_77 = arith.constant 3584 : index
    %get3A_78 = arith.constant 0 : index
    %get3A_79 = vector.load %arg3[%get3A_77, %get3A_78] : memref<4096x128xf32, #tpu.memory_space<vmem>>, vector<512x128xf32>
    %transpose3A_80 = tpu.transpose %get3A_79, [1, 0] : vector<512x128xf32> -> vector<128x512xf32>
    %reshape3A_81 = vector.shape_cast %transpose3A_80 : vector<128x512xf32> to vector<128x4x128xf32>
    %swap3A_82 = arith.constant 0 : index
    %swap3A_83 = arith.constant 28 : index
    %swap3A_84 = arith.constant 0 : index
    %swap3A_85 = vector.load %arg5[%swap3A_82, %swap3A_83, %swap3A_84] : memref<128x32x128xf32, #tpu.memory_space<vmem>>, vector<128x4x128xf32>
    tpu.vector_store %arg5[%swap3A_82, %swap3A_83, %swap3A_84], %reshape3A_81 {strides = array<i32>} : memref<128x32x128xf32, #tpu.memory_space<vmem>>, vector<128x4x128xf32>,
    %dma_start3A_86 = arith.constant 0 : i32
    %dma_start3A_87 = arith.constant 0 : i32
    %dma_start3A_88 = arith.constant 0 : i32
    %dma_start3A_89 = arith.constant 0 : i32
    %dma_start3A_90 = tpu.memref_slice %arg2[%mul3A_0, %dma_start3A_87, %dma_start3A_86, %dma_start3A_88, %dma_start3A_89] : memref<200x32x4x32x128xf32, #tpu.memory_space<any>> -> memref<1x32x1x32x128xf32, #tpu.memory_space<any>>
    %dma_start3A_91 = tpu.memref_squeeze %dma_start3A_90 : memref<1x32x1x32x128xf32, #tpu.memory_space<any>> -> memref<32x32x128xf32, #tpu.memory_space<any>>
    %dma_start3A_92 = arith.constant 0 : i32
    %dma_start3A_93 = arith.constant 0 : i32
    %dma_start3A_94 = arith.constant 0 : i32
    %dma_start3A_95 = tpu.memref_slice %arg5[%dma_start3A_92, %dma_start3A_93, %dma_start3A_94] : memref<128x32x128xf32, #tpu.memory_space<vmem>> -> memref<32x32x128xf32, #tpu.memory_space<vmem>>
    tpu.enqueue_dma source(%dma_start3A_95 : memref<32x32x128xf32, #tpu.memory_space<vmem>>) target(%dma_start3A_91 : memref<32x32x128xf32, #tpu.memory_space<any>>) target_semaphore(%arg9 : memref<!tpu.dma_semaphore, #tpu.memory_space<semaphore_mem>>)
    %dma_start3A_96 = arith.constant 1 : i32
    %dma_start3A_97 = arith.constant 0 : i32
    %dma_start3A_98 = arith.constant 0 : i32
    %dma_start3A_99 = arith.constant 0 : i32
    %dma_start3A_100 = tpu.memref_slice %arg2[%mul3A_0, %dma_start3A_97, %dma_start3A_96, %dma_start3A_98, %dma_start3A_99] : memref<200x32x4x32x128xf32, #tpu.memory_space<any>> -> memref<1x32x1x32x128xf32, #tpu.memory_space<any>>
    %dma_start3A_101 = tpu.memref_squeeze %dma_start3A_100 : memref<1x32x1x32x128xf32, #tpu.memory_space<any>> -> memref<32x32x128xf32, #tpu.memory_space<any>>
    %dma_start3A_102 = arith.constant 32 : i32
    %dma_start3A_103 = arith.constant 0 : i32
    %dma_start3A_104 = arith.constant 0 : i32
    %dma_start3A_105 = tpu.memref_slice %arg5[%dma_start3A_102, %dma_start3A_103, %dma_start3A_104] : memref<128x32x128xf32, #tpu.memory_space<vmem>> -> memref<32x32x128xf32, #tpu.memory_space<vmem>>
    tpu.enqueue_dma source(%dma_start3A_105 : memref<32x32x128xf32, #tpu.memory_space<vmem>>) target(%dma_start3A_101 : memref<32x32x128xf32, #tpu.memory_space<any>>) target_semaphore(%arg9 : memref<!tpu.dma_semaphore, #tpu.memory_space<semaphore_mem>>)
    %dma_start3A_106 = arith.constant 2 : i32
    %dma_start3A_107 = arith.constant 0 : i32
    %dma_start3A_108 = arith.constant 0 : i32
    %dma_start3A_109 = arith.constant 0 : i32
    %dma_start3A_110 = tpu.memref_slice %arg2[%mul3A_0, %dma_start3A_107, %dma_start3A_106, %dma_start3A_108, %dma_start3A_109] : memref<200x32x4x32x128xf32, #tpu.memory_space<any>> -> memref<1x32x1x32x128xf32, #tpu.memory_space<any>>
    %dma_start3A_111 = tpu.memref_squeeze %dma_start3A_110 : memref<1x32x1x32x128xf32, #tpu.memory_space<any>> -> memref<32x32x128xf32, #tpu.memory_space<any>>
    %dma_start3A_112 = arith.constant 64 : i32
    %dma_start3A_113 = arith.constant 0 : i32
    %dma_start3A_114 = arith.constant 0 : i32
    %dma_start3A_115 = tpu.memref_slice %arg5[%dma_start3A_112, %dma_start3A_113, %dma_start3A_114] : memref<128x32x128xf32, #tpu.memory_space<vmem>> -> memref<32x32x128xf32, #tpu.memory_space<vmem>>
    tpu.enqueue_dma source(%dma_start3A_115 : memref<32x32x128xf32, #tpu.memory_space<vmem>>) target(%dma_start3A_111 : memref<32x32x128xf32, #tpu.memory_space<any>>) target_semaphore(%arg9 : memref<!tpu.dma_semaphore, #tpu.memory_space<semaphore_mem>>)
    %dma_start3A_116 = arith.constant 3 : i32
    %dma_start3A_117 = arith.constant 0 : i32
    %dma_start3A_118 = arith.constant 0 : i32
    %dma_start3A_119 = arith.constant 0 : i32
    %dma_start3A_120 = tpu.memref_slice %arg2[%mul3A_0, %dma_start3A_117, %dma_start3A_116, %dma_start3A_118, %dma_start3A_119] : memref<200x32x4x32x128xf32, #tpu.memory_space<any>> -> memref<1x32x1x32x128xf32, #tpu.memory_space<any>>
    %dma_start3A_121 = tpu.memref_squeeze %dma_start3A_120 : memref<1x32x1x32x128xf32, #tpu.memory_space<any>> -> memref<32x32x128xf32, #tpu.memory_space<any>>
    %dma_start3A_122 = arith.constant 96 : i32
    %dma_start3A_123 = arith.constant 0 : i32
    %dma_start3A_124 = arith.constant 0 : i32
    %dma_start3A_125 = tpu.memref_slice %arg5[%dma_start3A_122, %dma_start3A_123, %dma_start3A_124] : memref<128x32x128xf32, #tpu.memory_space<vmem>> -> memref<32x32x128xf32, #tpu.memory_space<vmem>>
    tpu.enqueue_dma source(%dma_start3A_125 : memref<32x32x128xf32, #tpu.memory_space<vmem>>) target(%dma_start3A_121 : memref<32x32x128xf32, #tpu.memory_space<any>>) target_semaphore(%arg9 : memref<!tpu.dma_semaphore, #tpu.memory_space<semaphore_mem>>)
    %min3A_126 = arith.constant 2 : i32
    %min3A_127 = arith.constant 99 : i32
    %min3A_128 = arith.minsi %min3A_126, %min3A_127 : i32
    %add3A_129 = arith.addi %mul3A_0, %min3A_128 : i32
    %dma_start3A_130 = arith.constant 0 : i32
    %dma_start3A_131 = arith.constant 0 : i32
    %dma_start3A_132 = tpu.memref_slice %arg1[%add3A_129, %dma_start3A_130, %dma_start3A_131] : memref<200x4096x128xf32, #tpu.memory_space<any>> -> memref<1x4096x128xf32, #tpu.memory_space<any>>
    %dma_start3A_133 = tpu.memref_squeeze %dma_start3A_132 : memref<1x4096x128xf32, #tpu.memory_space<any>> -> memref<4096x128xf32, #tpu.memory_space<any>>
    tpu.enqueue_dma source(%dma_start3A_133 : memref<4096x128xf32, #tpu.memory_space<any>>) target(%arg3 : memref<4096x128xf32, #tpu.memory_space<vmem>>) target_semaphore(%arg7 : memref<!tpu.dma_semaphore, #tpu.memory_space<semaphore_mem>>)
    %dma_wait3A_134 = arith.constant 0 : i32
    %dma_wait3A_135 = arith.constant 0 : i32
    %dma_wait3A_136 = arith.constant 0 : i32
    %dma_wait3A_137 = tpu.memref_slice %arg1[%dma_wait3A_134, %dma_wait3A_135, %dma_wait3A_136] : memref<200x4096x128xf32, #tpu.memory_space<any>> -> memref<1x4096x128xf32, #tpu.memory_space<any>>
    %dma_wait3A_138 = tpu.memref_squeeze %dma_wait3A_137 : memref<1x4096x128xf32, #tpu.memory_space<any>> -> memref<4096x128xf32, #tpu.memory_space<any>>
    tpu.wait_dma2 semaphore(%arg8 : memref<!tpu.dma_semaphore, #tpu.memory_space<semaphore_mem>>) src(%dma_wait3A_138 : memref<4096x128xf32, #tpu.memory_space<any>>) dst(%arg4 : memref<4096x128xf32, #tpu.memory_space<vmem>>)
    %get3A_139 = arith.constant 0 : index
    %get3A_140 = arith.constant 0 : index
    %get3A_141 = vector.load %arg4[%get3A_139, %get3A_140] : memref<4096x128xf32, #tpu.memory_space<vmem>>, vector<512x128xf32>
    %transpose3A_142 = tpu.transpose %get3A_141, [1, 0] : vector<512x128xf32> -> vector<128x512xf32>
    %reshape3A_143 = vector.shape_cast %transpose3A_142 : vector<128x512xf32> to vector<128x4x128xf32>
    %swap3A_144 = arith.constant 0 : index
    %swap3A_145 = arith.constant 0 : index
    %swap3A_146 = arith.constant 0 : index
    %swap3A_147 = vector.load %arg6[%swap3A_144, %swap3A_145, %swap3A_146] : memref<128x32x128xf32, #tpu.memory_space<vmem>>, vector<128x4x128xf32>
    tpu.vector_store %arg6[%swap3A_144, %swap3A_145, %swap3A_146], %reshape3A_143 {strides = array<i32>} : memref<128x32x128xf32, #tpu.memory_space<vmem>>, vector<128x4x128xf32>,
    %get3A_148 = arith.constant 512 : index
    %get3A_149 = arith.constant 0 : index
    %get3A_150 = vector.load %arg4[%get3A_148, %get3A_149] : memref<4096x128xf32, #tpu.memory_space<vmem>>, vector<512x128xf32>
    %transpose3A_151 = tpu.transpose %get3A_150, [1, 0] : vector<512x128xf32> -> vector<128x512xf32>
    %reshape3A_152 = vector.shape_cast %transpose3A_151 : vector<128x512xf32> to vector<128x4x128xf32>
    %swap3A_153 = arith.constant 0 : index
    %swap3A_154 = arith.constant 4 : index
    %swap3A_155 = arith.constant 0 : index
    %swap3A_156 = vector.load %arg6[%swap3A_153, %swap3A_154, %swap3A_155] : memref<128x32x128xf32, #tpu.memory_space<vmem>>, vector<128x4x128xf32>
    tpu.vector_store %arg6[%swap3A_153, %swap3A_154, %swap3A_155], %reshape3A_152 {strides = array<i32>} : memref<128x32x128xf32, #tpu.memory_space<vmem>>, vector<128x4x128xf32>,
    %get3A_157 = arith.constant 1024 : index
    %get3A_158 = arith.constant 0 : index
    %get3A_159 = vector.load %arg4[%get3A_157, %get3A_158] : memref<4096x128xf32, #tpu.memory_space<vmem>>, vector<512x128xf32>
    %transpose3A_160 = tpu.transpose %get3A_159, [1, 0] : vector<512x128xf32> -> vector<128x512xf32>
    %reshape3A_161 = vector.shape_cast %transpose3A_160 : vector<128x512xf32> to vector<128x4x128xf32>
    %swap3A_162 = arith.constant 0 : index
    %swap3A_163 = arith.constant 8 : index
    %swap3A_164 = arith.constant 0 : index
    %swap3A_165 = vector.load %arg6[%swap3A_162, %swap3A_163, %swap3A_164] : memref<128x32x128xf32, #tpu.memory_space<vmem>>, vector<128x4x128xf32>
    tpu.vector_store %arg6[%swap3A_162, %swap3A_163, %swap3A_164], %reshape3A_161 {strides = array<i32>} : memref<128x32x128xf32, #tpu.memory_space<vmem>>, vector<128x4x128xf32>,
    %get3A_166 = arith.constant 1536 : index
    %get3A_167 = arith.constant 0 : index
    %get3A_168 = vector.load %arg4[%get3A_166, %get3A_167] : memref<4096x128xf32, #tpu.memory_space<vmem>>, vector<512x128xf32>
    %transpose3A_169 = tpu.transpose %get3A_168, [1, 0] : vector<512x128xf32> -> vector<128x512xf32>
    %reshape3A_170 = vector.shape_cast %transpose3A_169 : vector<128x512xf32> to vector<128x4x128xf32>
    %swap3A_171 = arith.constant 0 : index
    %swap3A_172 = arith.constant 12 : index
    %swap3A_173 = arith.constant 0 : index
    %swap3A_174 = vector.load %arg6[%swap3A_171, %swap3A_172, %swap3A_173] : memref<128x32x128xf32, #tpu.memory_space<vmem>>, vector<128x4x128xf32>
    tpu.vector_store %arg6[%swap3A_171, %swap3A_172, %swap3A_173], %reshape3A_170 {strides = array<i32>} : memref<128x32x128xf32, #tpu.memory_space<vmem>>, vector<128x4x128xf32>,
    %get3A_175 = arith.constant 2048 : index
    %get3A_176 = arith.constant 0 : index
    %get3A_177 = vector.load %arg4[%get3A_175, %get3A_176] : memref<4096x128xf32, #tpu.memory_space<vmem>>, vector<512x128xf32>
    %transpose3A_178 = tpu.transpose %get3A_177, [1, 0] : vector<512x128xf32> -> vector<128x512xf32>
    %reshape3A_179 = vector.shape_cast %transpose3A_178 : vector<128x512xf32> to vector<128x4x128xf32>
    %swap3A_180 = arith.constant 0 : index
    %swap3A_181 = arith.constant 16 : index
    %swap3A_182 = arith.constant 0 : index
    %swap3A_183 = vector.load %arg6[%swap3A_180, %swap3A_181, %swap3A_182] : memref<128x32x128xf32, #tpu.memory_space<vmem>>, vector<128x4x128xf32>
    tpu.vector_store %arg6[%swap3A_180, %swap3A_181, %swap3A_182], %reshape3A_179 {strides = array<i32>} : memref<128x32x128xf32, #tpu.memory_space<vmem>>, vector<128x4x128xf32>,
    %get3A_184 = arith.constant 2560 : index
    %get3A_185 = arith.constant 0 : index
    %get3A_186 = vector.load %arg4[%get3A_184, %get3A_185] : memref<4096x128xf32, #tpu.memory_space<vmem>>, vector<512x128xf32>
    %transpose3A_187 = tpu.transpose %get3A_186, [1, 0] : vector<512x128xf32> -> vector<128x512xf32>
    %reshape3A_188 = vector.shape_cast %transpose3A_187 : vector<128x512xf32> to vector<128x4x128xf32>
    %swap3A_189 = arith.constant 0 : index
    %swap3A_190 = arith.constant 20 : index
    %swap3A_191 = arith.constant 0 : index
    %swap3A_192 = vector.load %arg6[%swap3A_189, %swap3A_190, %swap3A_191] : memref<128x32x128xf32, #tpu.memory_space<vmem>>, vector<128x4x128xf32>
    tpu.vector_store %arg6[%swap3A_189, %swap3A_190, %swap3A_191], %reshape3A_188 {strides = array<i32>} : memref<128x32x128xf32, #tpu.memory_space<vmem>>, vector<128x4x128xf32>,
    %get3A_193 = arith.constant 3072 : index
    %get3A_194 = arith.constant 0 : index
    %get3A_195 = vector.load %arg4[%get3A_193, %get3A_194] : memref<4096x128xf32, #tpu.memory_space<vmem>>, vector<512x128xf32>
    %transpose3A_196 = tpu.transpose %get3A_195, [1, 0] : vector<512x128xf32> -> vector<128x512xf32>
    %reshape3A_197 = vector.shape_cast %transpose3A_196 : vector<128x512xf32> to vector<128x4x128xf32>
    %swap3A_198 = arith.constant 0 : index
    %swap3A_199 = arith.constant 24 : index
    %swap3A_200 = arith.constant 0 : index
    %swap3A_201 = vector.load %arg6[%swap3A_198, %swap3A_199, %swap3A_200] : memref<128x32x128xf32, #tpu.memory_space<vmem>>, vector<128x4x128xf32>
    tpu.vector_store %arg6[%swap3A_198, %swap3A_199, %swap3A_200], %reshape3A_197 {strides = array<i32>} : memref<128x32x128xf32, #tpu.memory_space<vmem>>, vector<128x4x128xf32>,
    %get3A_202 = arith.constant 3584 : index
    %get3A_203 = arith.constant 0 : index
    %get3A_204 = vector.load %arg4[%get3A_202, %get3A_203] : memref<4096x128xf32, #tpu.memory_space<vmem>>, vector<512x128xf32>
    %transpose3A_205 = tpu.transpose %get3A_204, [1, 0] : vector<512x128xf32> -> vector<128x512xf32>
    %reshape3A_206 = vector.shape_cast %transpose3A_205 : vector<128x512xf32> to vector<128x4x128xf32>
    %swap3A_207 = arith.constant 0 : index
    %swap3A_208 = arith.constant 28 : index
    %swap3A_209 = arith.constant 0 : index
    %swap3A_210 = vector.load %arg6[%swap3A_207, %swap3A_208, %swap3A_209] : memref<128x32x128xf32, #tpu.memory_space<vmem>>, vector<128x4x128xf32>
    tpu.vector_store %arg6[%swap3A_207, %swap3A_208, %swap3A_209], %reshape3A_206 {strides = array<i32>} : memref<128x32x128xf32, #tpu.memory_space<vmem>>, vector<128x4x128xf32>,
    %add3A_211 = arith.constant 1 : i32
    %add3A_212 = arith.addi %mul3A_0, %add3A_211 : i32
    %dma_start3A_213 = arith.constant 0 : i32
    %dma_start3A_214 = arith.constant 0 : i32
    %dma_start3A_215 = arith.constant 0 : i32
    %dma_start3A_216 = arith.constant 0 : i32
    %dma_start3A_217 = tpu.memref_slice %arg2[%add3A_212, %dma_start3A_214, %dma_start3A_213, %dma_start3A_215, %dma_start3A_216] : memref<200x32x4x32x128xf32, #tpu.memory_space<any>> -> memref<1x32x1x32x128xf32, #tpu.memory_space<any>>
    %dma_start3A_218 = tpu.memref_squeeze %dma_start3A_217 : memref<1x32x1x32x128xf32, #tpu.memory_space<any>> -> memref<32x32x128xf32, #tpu.memory_space<any>>
    %dma_start3A_219 = arith.constant 0 : i32
    %dma_start3A_220 = arith.constant 0 : i32
    %dma_start3A_221 = arith.constant 0 : i32
    %dma_start3A_222 = tpu.memref_slice %arg6[%dma_start3A_219, %dma_start3A_220, %dma_start3A_221] : memref<128x32x128xf32, #tpu.memory_space<vmem>> -> memref<32x32x128xf32, #tpu.memory_space<vmem>>
    tpu.enqueue_dma source(%dma_start3A_222 : memref<32x32x128xf32, #tpu.memory_space<vmem>>) target(%dma_start3A_218 : memref<32x32x128xf32, #tpu.memory_space<any>>) target_semaphore(%arg10 : memref<!tpu.dma_semaphore, #tpu.memory_space<semaphore_mem>>)
    %dma_start3A_223 = arith.constant 1 : i32
    %dma_start3A_224 = arith.constant 0 : i32
    %dma_start3A_225 = arith.constant 0 : i32
    %dma_start3A_226 = arith.constant 0 : i32
    %dma_start3A_227 = tpu.memref_slice %arg2[%add3A_212, %dma_start3A_224, %dma_start3A_223, %dma_start3A_225, %dma_start3A_226] : memref<200x32x4x32x128xf32, #tpu.memory_space<any>> -> memref<1x32x1x32x128xf32, #tpu.memory_space<any>>
    %dma_start3A_228 = tpu.memref_squeeze %dma_start3A_227 : memref<1x32x1x32x128xf32, #tpu.memory_space<any>> -> memref<32x32x128xf32, #tpu.memory_space<any>>
    %dma_start3A_229 = arith.constant 32 : i32
    %dma_start3A_230 = arith.constant 0 : i32
    %dma_start3A_231 = arith.constant 0 : i32
    %dma_start3A_232 = tpu.memref_slice %arg6[%dma_start3A_229, %dma_start3A_230, %dma_start3A_231] : memref<128x32x128xf32, #tpu.memory_space<vmem>> -> memref<32x32x128xf32, #tpu.memory_space<vmem>>
    tpu.enqueue_dma source(%dma_start3A_232 : memref<32x32x128xf32, #tpu.memory_space<vmem>>) target(%dma_start3A_228 : memref<32x32x128xf32, #tpu.memory_space<any>>) target_semaphore(%arg10 : memref<!tpu.dma_semaphore, #tpu.memory_space<semaphore_mem>>)
    %dma_start3A_233 = arith.constant 2 : i32
    %dma_start3A_234 = arith.constant 0 : i32
    %dma_start3A_235 = arith.constant 0 : i32
    %dma_start3A_236 = arith.constant 0 : i32
    %dma_start3A_237 = tpu.memref_slice %arg2[%add3A_212, %dma_start3A_234, %dma_start3A_233, %dma_start3A_235, %dma_start3A_236] : memref<200x32x4x32x128xf32, #tpu.memory_space<any>> -> memref<1x32x1x32x128xf32, #tpu.memory_space<any>>
    %dma_start3A_238 = tpu.memref_squeeze %dma_start3A_237 : memref<1x32x1x32x128xf32, #tpu.memory_space<any>> -> memref<32x32x128xf32, #tpu.memory_space<any>>
    %dma_start3A_239 = arith.constant 64 : i32
    %dma_start3A_240 = arith.constant 0 : i32
    %dma_start3A_241 = arith.constant 0 : i32
    %dma_start3A_242 = tpu.memref_slice %arg6[%dma_start3A_239, %dma_start3A_240, %dma_start3A_241] : memref<128x32x128xf32, #tpu.memory_space<vmem>> -> memref<32x32x128xf32, #tpu.memory_space<vmem>>
    tpu.enqueue_dma source(%dma_start3A_242 : memref<32x32x128xf32, #tpu.memory_space<vmem>>) target(%dma_start3A_238 : memref<32x32x128xf32, #tpu.memory_space<any>>) target_semaphore(%arg10 : memref<!tpu.dma_semaphore, #tpu.memory_space<semaphore_mem>>)
    %dma_start3A_243 = arith.constant 3 : i32
    %dma_start3A_244 = arith.constant 0 : i32
    %dma_start3A_245 = arith.constant 0 : i32
    %dma_start3A_246 = arith.constant 0 : i32
    %dma_start3A_247 = tpu.memref_slice %arg2[%add3A_212, %dma_start3A_244, %dma_start3A_243, %dma_start3A_245, %dma_start3A_246] : memref<200x32x4x32x128xf32, #tpu.memory_space<any>> -> memref<1x32x1x32x128xf32, #tpu.memory_space<any>>
    %dma_start3A_248 = tpu.memref_squeeze %dma_start3A_247 : memref<1x32x1x32x128xf32, #tpu.memory_space<any>> -> memref<32x32x128xf32, #tpu.memory_space<any>>
    %dma_start3A_249 = arith.constant 96 : i32
    %dma_start3A_250 = arith.constant 0 : i32
    %dma_start3A_251 = arith.constant 0 : i32
    %dma_start3A_252 = tpu.memref_slice %arg6[%dma_start3A_249, %dma_start3A_250, %dma_start3A_251] : memref<128x32x128xf32, #tpu.memory_space<vmem>> -> memref<32x32x128xf32, #tpu.memory_space<vmem>>
    tpu.enqueue_dma source(%dma_start3A_252 : memref<32x32x128xf32, #tpu.memory_space<vmem>>) target(%dma_start3A_248 : memref<32x32x128xf32, #tpu.memory_space<any>>) target_semaphore(%arg10 : memref<!tpu.dma_semaphore, #tpu.memory_space<semaphore_mem>>)
    %min3A_253 = arith.constant 3 : i32
    %min3A_254 = arith.constant 99 : i32
    %min3A_255 = arith.minsi %min3A_253, %min3A_254 : i32
    %add3A_256 = arith.addi %mul3A_0, %min3A_255 : i32
    %dma_start3A_257 = arith.constant 0 : i32
    %dma_start3A_258 = arith.constant 0 : i32
    %dma_start3A_259 = tpu.memref_slice %arg1[%add3A_256, %dma_start3A_257, %dma_start3A_258] : memref<200x4096x128xf32, #tpu.memory_space<any>> -> memref<1x4096x128xf32, #tpu.memory_space<any>>
    %dma_start3A_260 = tpu.memref_squeeze %dma_start3A_259 : memref<1x4096x128xf32, #tpu.memory_space<any>> -> memref<4096x128xf32, #tpu.memory_space<any>>
    tpu.enqueue_dma source(%dma_start3A_260 : memref<4096x128xf32, #tpu.memory_space<any>>) target(%arg4 : memref<4096x128xf32, #tpu.memory_space<vmem>>) target_semaphore(%arg8 : memref<!tpu.dma_semaphore, #tpu.memory_space<semaphore_mem>>)
    %scan3A = arith.constant 0 : i32
    %scan3A_261 = arith.constant 49 : i32
    %scan3A_262 = arith.addi %scan3A, %scan3A_261 : i32
    %scan3A_263 = arith.constant 1 : i32
    scf.for %scan3A_363 = %scan3A to %scan3A_262 step %scan3A_263  : i32 {
      %mul3A_364 = arith.constant 1 : i32
      %mul3A_365 = arith.muli %scan3A_363, %mul3A_364 : i32
      %add3A_366 = arith.constant 1 : i32
      %add3A_367 = arith.addi %add3A_366, %mul3A_365 : i32
      %mul3A_368 = arith.constant 2 : i32
      %mul3A_369 = arith.muli %mul3A_368, %add3A_367 : i32
      %add3A_370 = arith.constant 0 : i32
      %add3A_371 = arith.addi %mul3A_369, %add3A_370 : i32
      %dma_wait3A_372 = arith.constant 0 : i32
      %dma_wait3A_373 = arith.constant 0 : i32
      %dma_wait3A_374 = arith.constant 0 : i32
      %dma_wait3A_375 = tpu.memref_slice %arg1[%dma_wait3A_372, %dma_wait3A_373, %dma_wait3A_374] : memref<200x4096x128xf32, #tpu.memory_space<any>> -> memref<1x4096x128xf32, #tpu.memory_space<any>>
      %dma_wait3A_376 = tpu.memref_squeeze %dma_wait3A_375 : memref<1x4096x128xf32, #tpu.memory_space<any>> -> memref<4096x128xf32, #tpu.memory_space<any>>
      tpu.wait_dma2 semaphore(%arg7 : memref<!tpu.dma_semaphore, #tpu.memory_space<semaphore_mem>>) src(%dma_wait3A_376 : memref<4096x128xf32, #tpu.memory_space<any>>) dst(%arg3 : memref<4096x128xf32, #tpu.memory_space<vmem>>)
      %dma_wait3A_377 = arith.constant 0 : i32
      %dma_wait3A_378 = arith.constant 0 : i32
      %dma_wait3A_379 = arith.constant 0 : i32
      %dma_wait3A_380 = arith.constant 0 : i32
      %dma_wait3A_381 = arith.constant 0 : i32
      %dma_wait3A_382 = tpu.memref_slice %arg2[%dma_wait3A_377, %dma_wait3A_379, %dma_wait3A_378, %dma_wait3A_380, %dma_wait3A_381] : memref<200x32x4x32x128xf32, #tpu.memory_space<any>> -> memref<1x32x1x32x128xf32, #tpu.memory_space<any>>
      %dma_wait3A_383 = tpu.memref_squeeze %dma_wait3A_382 : memref<1x32x1x32x128xf32, #tpu.memory_space<any>> -> memref<32x32x128xf32, #tpu.memory_space<any>>
      %dma_wait3A_384 = arith.constant 0 : i32
      %dma_wait3A_385 = arith.constant 0 : i32
      %dma_wait3A_386 = arith.constant 0 : i32
      %dma_wait3A_387 = tpu.memref_slice %arg5[%dma_wait3A_384, %dma_wait3A_385, %dma_wait3A_386] : memref<128x32x128xf32, #tpu.memory_space<vmem>> -> memref<32x32x128xf32, #tpu.memory_space<vmem>>
      tpu.wait_dma2 semaphore(%arg9 : memref<!tpu.dma_semaphore, #tpu.memory_space<semaphore_mem>>) src(%dma_wait3A_387 : memref<32x32x128xf32, #tpu.memory_space<vmem>>) dst(%dma_wait3A_383 : memref<32x32x128xf32, #tpu.memory_space<any>>)
      %dma_wait3A_388 = arith.constant 0 : i32
      %dma_wait3A_389 = arith.constant 0 : i32
      %dma_wait3A_390 = arith.constant 0 : i32
      %dma_wait3A_391 = arith.constant 0 : i32
      %dma_wait3A_392 = arith.constant 0 : i32
      %dma_wait3A_393 = tpu.memref_slice %arg2[%dma_wait3A_388, %dma_wait3A_390, %dma_wait3A_389, %dma_wait3A_391, %dma_wait3A_392] : memref<200x32x4x32x128xf32, #tpu.memory_space<any>> -> memref<1x32x1x32x128xf32, #tpu.memory_space<any>>
      %dma_wait3A_394 = tpu.memref_squeeze %dma_wait3A_393 : memref<1x32x1x32x128xf32, #tpu.memory_space<any>> -> memref<32x32x128xf32, #tpu.memory_space<any>>
      %dma_wait3A_395 = arith.constant 0 : i32
      %dma_wait3A_396 = arith.constant 0 : i32
      %dma_wait3A_397 = arith.constant 0 : i32
      %dma_wait3A_398 = tpu.memref_slice %arg5[%dma_wait3A_395, %dma_wait3A_396, %dma_wait3A_397] : memref<128x32x128xf32, #tpu.memory_space<vmem>> -> memref<32x32x128xf32, #tpu.memory_space<vmem>>
      tpu.wait_dma2 semaphore(%arg9 : memref<!tpu.dma_semaphore, #tpu.memory_space<semaphore_mem>>) src(%dma_wait3A_398 : memref<32x32x128xf32, #tpu.memory_space<vmem>>) dst(%dma_wait3A_394 : memref<32x32x128xf32, #tpu.memory_space<any>>)
      %dma_wait3A_399 = arith.constant 0 : i32
      %dma_wait3A_400 = arith.constant 0 : i32
      %dma_wait3A_401 = arith.constant 0 : i32
      %dma_wait3A_402 = arith.constant 0 : i32
      %dma_wait3A_403 = arith.constant 0 : i32
      %dma_wait3A_404 = tpu.memref_slice %arg2[%dma_wait3A_399, %dma_wait3A_401, %dma_wait3A_400, %dma_wait3A_402, %dma_wait3A_403] : memref<200x32x4x32x128xf32, #tpu.memory_space<any>> -> memref<1x32x1x32x128xf32, #tpu.memory_space<any>>
      %dma_wait3A_405 = tpu.memref_squeeze %dma_wait3A_404 : memref<1x32x1x32x128xf32, #tpu.memory_space<any>> -> memref<32x32x128xf32, #tpu.memory_space<any>>
      %dma_wait3A_406 = arith.constant 0 : i32
      %dma_wait3A_407 = arith.constant 0 : i32
      %dma_wait3A_408 = arith.constant 0 : i32
      %dma_wait3A_409 = tpu.memref_slice %arg5[%dma_wait3A_406, %dma_wait3A_407, %dma_wait3A_408] : memref<128x32x128xf32, #tpu.memory_space<vmem>> -> memref<32x32x128xf32, #tpu.memory_space<vmem>>
      tpu.wait_dma2 semaphore(%arg9 : memref<!tpu.dma_semaphore, #tpu.memory_space<semaphore_mem>>) src(%dma_wait3A_409 : memref<32x32x128xf32, #tpu.memory_space<vmem>>) dst(%dma_wait3A_405 : memref<32x32x128xf32, #tpu.memory_space<any>>)
      %dma_wait3A_410 = arith.constant 0 : i32
      %dma_wait3A_411 = arith.constant 0 : i32
      %dma_wait3A_412 = arith.constant 0 : i32
      %dma_wait3A_413 = arith.constant 0 : i32
      %dma_wait3A_414 = arith.constant 0 : i32
      %dma_wait3A_415 = tpu.memref_slice %arg2[%dma_wait3A_410, %dma_wait3A_412, %dma_wait3A_411, %dma_wait3A_413, %dma_wait3A_414] : memref<200x32x4x32x128xf32, #tpu.memory_space<any>> -> memref<1x32x1x32x128xf32, #tpu.memory_space<any>>
      %dma_wait3A_416 = tpu.memref_squeeze %dma_wait3A_415 : memref<1x32x1x32x128xf32, #tpu.memory_space<any>> -> memref<32x32x128xf32, #tpu.memory_space<any>>
      %dma_wait3A_417 = arith.constant 0 : i32
      %dma_wait3A_418 = arith.constant 0 : i32
      %dma_wait3A_419 = arith.constant 0 : i32
      %dma_wait3A_420 = tpu.memref_slice %arg5[%dma_wait3A_417, %dma_wait3A_418, %dma_wait3A_419] : memref<128x32x128xf32, #tpu.memory_space<vmem>> -> memref<32x32x128xf32, #tpu.memory_space<vmem>>
      tpu.wait_dma2 semaphore(%arg9 : memref<!tpu.dma_semaphore, #tpu.memory_space<semaphore_mem>>) src(%dma_wait3A_420 : memref<32x32x128xf32, #tpu.memory_space<vmem>>) dst(%dma_wait3A_416 : memref<32x32x128xf32, #tpu.memory_space<any>>)
      %get3A_421 = arith.constant 0 : index
      %get3A_422 = arith.constant 0 : index
      %get3A_423 = vector.load %arg3[%get3A_421, %get3A_422] : memref<4096x128xf32, #tpu.memory_space<vmem>>, vector<512x128xf32>
      %transpose3A_424 = tpu.transpose %get3A_423, [1, 0] : vector<512x128xf32> -> vector<128x512xf32>
      %reshape3A_425 = vector.shape_cast %transpose3A_424 : vector<128x512xf32> to vector<128x4x128xf32>
      %swap3A_426 = arith.constant 0 : index
      %swap3A_427 = arith.constant 0 : index
      %swap3A_428 = arith.constant 0 : index
      %swap3A_429 = vector.load %arg5[%swap3A_426, %swap3A_427, %swap3A_428] : memref<128x32x128xf32, #tpu.memory_space<vmem>>, vector<128x4x128xf32>
      tpu.vector_store %arg5[%swap3A_426, %swap3A_427, %swap3A_428], %reshape3A_425 {strides = array<i32>} : memref<128x32x128xf32, #tpu.memory_space<vmem>>, vector<128x4x128xf32>,
      %get3A_430 = arith.constant 512 : index
      %get3A_431 = arith.constant 0 : index
      %get3A_432 = vector.load %arg3[%get3A_430, %get3A_431] : memref<4096x128xf32, #tpu.memory_space<vmem>>, vector<512x128xf32>
      %transpose3A_433 = tpu.transpose %get3A_432, [1, 0] : vector<512x128xf32> -> vector<128x512xf32>
      %reshape3A_434 = vector.shape_cast %transpose3A_433 : vector<128x512xf32> to vector<128x4x128xf32>
      %swap3A_435 = arith.constant 0 : index
      %swap3A_436 = arith.constant 4 : index
      %swap3A_437 = arith.constant 0 : index
      %swap3A_438 = vector.load %arg5[%swap3A_435, %swap3A_436, %swap3A_437] : memref<128x32x128xf32, #tpu.memory_space<vmem>>, vector<128x4x128xf32>
      tpu.vector_store %arg5[%swap3A_435, %swap3A_436, %swap3A_437], %reshape3A_434 {strides = array<i32>} : memref<128x32x128xf32, #tpu.memory_space<vmem>>, vector<128x4x128xf32>,
      %get3A_439 = arith.constant 1024 : index
      %get3A_440 = arith.constant 0 : index
      %get3A_441 = vector.load %arg3[%get3A_439, %get3A_440] : memref<4096x128xf32, #tpu.memory_space<vmem>>, vector<512x128xf32>
      %transpose3A_442 = tpu.transpose %get3A_441, [1, 0] : vector<512x128xf32> -> vector<128x512xf32>
      %reshape3A_443 = vector.shape_cast %transpose3A_442 : vector<128x512xf32> to vector<128x4x128xf32>
      %swap3A_444 = arith.constant 0 : index
      %swap3A_445 = arith.constant 8 : index
      %swap3A_446 = arith.constant 0 : index
      %swap3A_447 = vector.load %arg5[%swap3A_444, %swap3A_445, %swap3A_446] : memref<128x32x128xf32, #tpu.memory_space<vmem>>, vector<128x4x128xf32>
      tpu.vector_store %arg5[%swap3A_444, %swap3A_445, %swap3A_446], %reshape3A_443 {strides = array<i32>} : memref<128x32x128xf32, #tpu.memory_space<vmem>>, vector<128x4x128xf32>,
      %get3A_448 = arith.constant 1536 : index
      %get3A_449 = arith.constant 0 : index
      %get3A_450 = vector.load %arg3[%get3A_448, %get3A_449] : memref<4096x128xf32, #tpu.memory_space<vmem>>, vector<512x128xf32>
      %transpose3A_451 = tpu.transpose %get3A_450, [1, 0] : vector<512x128xf32> -> vector<128x512xf32>
      %reshape3A_452 = vector.shape_cast %transpose3A_451 : vector<128x512xf32> to vector<128x4x128xf32>
      %swap3A_453 = arith.constant 0 : index
      %swap3A_454 = arith.constant 12 : index
      %swap3A_455 = arith.constant 0 : index
      %swap3A_456 = vector.load %arg5[%swap3A_453, %swap3A_454, %swap3A_455] : memref<128x32x128xf32, #tpu.memory_space<vmem>>, vector<128x4x128xf32>
      tpu.vector_store %arg5[%swap3A_453, %swap3A_454, %swap3A_455], %reshape3A_452 {strides = array<i32>} : memref<128x32x128xf32, #tpu.memory_space<vmem>>, vector<128x4x128xf32>,
      %get3A_457 = arith.constant 2048 : index
      %get3A_458 = arith.constant 0 : index
      %get3A_459 = vector.load %arg3[%get3A_457, %get3A_458] : memref<4096x128xf32, #tpu.memory_space<vmem>>, vector<512x128xf32>
      %transpose3A_460 = tpu.transpose %get3A_459, [1, 0] : vector<512x128xf32> -> vector<128x512xf32>
      %reshape3A_461 = vector.shape_cast %transpose3A_460 : vector<128x512xf32> to vector<128x4x128xf32>
      %swap3A_462 = arith.constant 0 : index
      %swap3A_463 = arith.constant 16 : index
      %swap3A_464 = arith.constant 0 : index
      %swap3A_465 = vector.load %arg5[%swap3A_462, %swap3A_463, %swap3A_464] : memref<128x32x128xf32, #tpu.memory_space<vmem>>, vector<128x4x128xf32>
      tpu.vector_store %arg5[%swap3A_462, %swap3A_463, %swap3A_464], %reshape3A_461 {strides = array<i32>} : memref<128x32x128xf32, #tpu.memory_space<vmem>>, vector<128x4x128xf32>,
      %get3A_466 = arith.constant 2560 : index
      %get3A_467 = arith.constant 0 : index
      %get3A_468 = vector.load %arg3[%get3A_466, %get3A_467] : memref<4096x128xf32, #tpu.memory_space<vmem>>, vector<512x128xf32>
      %transpose3A_469 = tpu.transpose %get3A_468, [1, 0] : vector<512x128xf32> -> vector<128x512xf32>
      %reshape3A_470 = vector.shape_cast %transpose3A_469 : vector<128x512xf32> to vector<128x4x128xf32>
      %swap3A_471 = arith.constant 0 : index
      %swap3A_472 = arith.constant 20 : index
      %swap3A_473 = arith.constant 0 : index
      %swap3A_474 = vector.load %arg5[%swap3A_471, %swap3A_472, %swap3A_473] : memref<128x32x128xf32, #tpu.memory_space<vmem>>, vector<128x4x128xf32>
      tpu.vector_store %arg5[%swap3A_471, %swap3A_472, %swap3A_473], %reshape3A_470 {strides = array<i32>} : memref<128x32x128xf32, #tpu.memory_space<vmem>>, vector<128x4x128xf32>,
      %get3A_475 = arith.constant 3072 : index
      %get3A_476 = arith.constant 0 : index
      %get3A_477 = vector.load %arg3[%get3A_475, %get3A_476] : memref<4096x128xf32, #tpu.memory_space<vmem>>, vector<512x128xf32>
      %transpose3A_478 = tpu.transpose %get3A_477, [1, 0] : vector<512x128xf32> -> vector<128x512xf32>
      %reshape3A_479 = vector.shape_cast %transpose3A_478 : vector<128x512xf32> to vector<128x4x128xf32>
      %swap3A_480 = arith.constant 0 : index
      %swap3A_481 = arith.constant 24 : index
      %swap3A_482 = arith.constant 0 : index
      %swap3A_483 = vector.load %arg5[%swap3A_480, %swap3A_481, %swap3A_482] : memref<128x32x128xf32, #tpu.memory_space<vmem>>, vector<128x4x128xf32>
      tpu.vector_store %arg5[%swap3A_480, %swap3A_481, %swap3A_482], %reshape3A_479 {strides = array<i32>} : memref<128x32x128xf32, #tpu.memory_space<vmem>>, vector<128x4x128xf32>,
      %get3A_484 = arith.constant 3584 : index
      %get3A_485 = arith.constant 0 : index
      %get3A_486 = vector.load %arg3[%get3A_484, %get3A_485] : memref<4096x128xf32, #tpu.memory_space<vmem>>, vector<512x128xf32>
      %transpose3A_487 = tpu.transpose %get3A_486, [1, 0] : vector<512x128xf32> -> vector<128x512xf32>
      %reshape3A_488 = vector.shape_cast %transpose3A_487 : vector<128x512xf32> to vector<128x4x128xf32>
      %swap3A_489 = arith.constant 0 : index
      %swap3A_490 = arith.constant 28 : index
      %swap3A_491 = arith.constant 0 : index
      %swap3A_492 = vector.load %arg5[%swap3A_489, %swap3A_490, %swap3A_491] : memref<128x32x128xf32, #tpu.memory_space<vmem>>, vector<128x4x128xf32>
      tpu.vector_store %arg5[%swap3A_489, %swap3A_490, %swap3A_491], %reshape3A_488 {strides = array<i32>} : memref<128x32x128xf32, #tpu.memory_space<vmem>>, vector<128x4x128xf32>,
      %add3A_493 = arith.addi %mul3A_0, %add3A_371 : i32
      %dma_start3A_494 = arith.constant 0 : i32
      %dma_start3A_495 = arith.constant 0 : i32
      %dma_start3A_496 = arith.constant 0 : i32
      %dma_start3A_497 = arith.constant 0 : i32
      %dma_start3A_498 = tpu.memref_slice %arg2[%add3A_493, %dma_start3A_495, %dma_start3A_494, %dma_start3A_496, %dma_start3A_497] : memref<200x32x4x32x128xf32, #tpu.memory_space<any>> -> memref<1x32x1x32x128xf32, #tpu.memory_space<any>>
      %dma_start3A_499 = tpu.memref_squeeze %dma_start3A_498 : memref<1x32x1x32x128xf32, #tpu.memory_space<any>> -> memref<32x32x128xf32, #tpu.memory_space<any>>
      %dma_start3A_500 = arith.constant 0 : i32
      %dma_start3A_501 = arith.constant 0 : i32
      %dma_start3A_502 = arith.constant 0 : i32
      %dma_start3A_503 = tpu.memref_slice %arg5[%dma_start3A_500, %dma_start3A_501, %dma_start3A_502] : memref<128x32x128xf32, #tpu.memory_space<vmem>> -> memref<32x32x128xf32, #tpu.memory_space<vmem>>
      tpu.enqueue_dma source(%dma_start3A_503 : memref<32x32x128xf32, #tpu.memory_space<vmem>>) target(%dma_start3A_499 : memref<32x32x128xf32, #tpu.memory_space<any>>) target_semaphore(%arg9 : memref<!tpu.dma_semaphore, #tpu.memory_space<semaphore_mem>>)
      %dma_start3A_504 = arith.constant 1 : i32
      %dma_start3A_505 = arith.constant 0 : i32
      %dma_start3A_506 = arith.constant 0 : i32
      %dma_start3A_507 = arith.constant 0 : i32
      %dma_start3A_508 = tpu.memref_slice %arg2[%add3A_493, %dma_start3A_505, %dma_start3A_504, %dma_start3A_506, %dma_start3A_507] : memref<200x32x4x32x128xf32, #tpu.memory_space<any>> -> memref<1x32x1x32x128xf32, #tpu.memory_space<any>>
      %dma_start3A_509 = tpu.memref_squeeze %dma_start3A_508 : memref<1x32x1x32x128xf32, #tpu.memory_space<any>> -> memref<32x32x128xf32, #tpu.memory_space<any>>
      %dma_start3A_510 = arith.constant 32 : i32
      %dma_start3A_511 = arith.constant 0 : i32
      %dma_start3A_512 = arith.constant 0 : i32
      %dma_start3A_513 = tpu.memref_slice %arg5[%dma_start3A_510, %dma_start3A_511, %dma_start3A_512] : memref<128x32x128xf32, #tpu.memory_space<vmem>> -> memref<32x32x128xf32, #tpu.memory_space<vmem>>
      tpu.enqueue_dma source(%dma_start3A_513 : memref<32x32x128xf32, #tpu.memory_space<vmem>>) target(%dma_start3A_509 : memref<32x32x128xf32, #tpu.memory_space<any>>) target_semaphore(%arg9 : memref<!tpu.dma_semaphore, #tpu.memory_space<semaphore_mem>>)
      %dma_start3A_514 = arith.constant 2 : i32
      %dma_start3A_515 = arith.constant 0 : i32
      %dma_start3A_516 = arith.constant 0 : i32
      %dma_start3A_517 = arith.constant 0 : i32
      %dma_start3A_518 = tpu.memref_slice %arg2[%add3A_493, %dma_start3A_515, %dma_start3A_514, %dma_start3A_516, %dma_start3A_517] : memref<200x32x4x32x128xf32, #tpu.memory_space<any>> -> memref<1x32x1x32x128xf32, #tpu.memory_space<any>>
      %dma_start3A_519 = tpu.memref_squeeze %dma_start3A_518 : memref<1x32x1x32x128xf32, #tpu.memory_space<any>> -> memref<32x32x128xf32, #tpu.memory_space<any>>
      %dma_start3A_520 = arith.constant 64 : i32
      %dma_start3A_521 = arith.constant 0 : i32
      %dma_start3A_522 = arith.constant 0 : i32
      %dma_start3A_523 = tpu.memref_slice %arg5[%dma_start3A_520, %dma_start3A_521, %dma_start3A_522] : memref<128x32x128xf32, #tpu.memory_space<vmem>> -> memref<32x32x128xf32, #tpu.memory_space<vmem>>
      tpu.enqueue_dma source(%dma_start3A_523 : memref<32x32x128xf32, #tpu.memory_space<vmem>>) target(%dma_start3A_519 : memref<32x32x128xf32, #tpu.memory_space<any>>) target_semaphore(%arg9 : memref<!tpu.dma_semaphore, #tpu.memory_space<semaphore_mem>>)
      %dma_start3A_524 = arith.constant 3 : i32
      %dma_start3A_525 = arith.constant 0 : i32
      %dma_start3A_526 = arith.constant 0 : i32
      %dma_start3A_527 = arith.constant 0 : i32
      %dma_start3A_528 = tpu.memref_slice %arg2[%add3A_493, %dma_start3A_525, %dma_start3A_524, %dma_start3A_526, %dma_start3A_527] : memref<200x32x4x32x128xf32, #tpu.memory_space<any>> -> memref<1x32x1x32x128xf32, #tpu.memory_space<any>>
      %dma_start3A_529 = tpu.memref_squeeze %dma_start3A_528 : memref<1x32x1x32x128xf32, #tpu.memory_space<any>> -> memref<32x32x128xf32, #tpu.memory_space<any>>
      %dma_start3A_530 = arith.constant 96 : i32
      %dma_start3A_531 = arith.constant 0 : i32
      %dma_start3A_532 = arith.constant 0 : i32
      %dma_start3A_533 = tpu.memref_slice %arg5[%dma_start3A_530, %dma_start3A_531, %dma_start3A_532] : memref<128x32x128xf32, #tpu.memory_space<vmem>> -> memref<32x32x128xf32, #tpu.memory_space<vmem>>
      tpu.enqueue_dma source(%dma_start3A_533 : memref<32x32x128xf32, #tpu.memory_space<vmem>>) target(%dma_start3A_529 : memref<32x32x128xf32, #tpu.memory_space<any>>) target_semaphore(%arg9 : memref<!tpu.dma_semaphore, #tpu.memory_space<semaphore_mem>>)
      %add3A_534 = arith.constant 2 : i32
      %add3A_535 = arith.addi %add3A_371, %add3A_534 : i32
      %min3A_536 = arith.constant 99 : i32
      %min3A_537 = arith.minsi %add3A_535, %min3A_536 : i32
      %add3A_538 = arith.addi %mul3A_0, %min3A_537 : i32
      %dma_start3A_539 = arith.constant 0 : i32
      %dma_start3A_540 = arith.constant 0 : i32
      %dma_start3A_541 = tpu.memref_slice %arg1[%add3A_538, %dma_start3A_539, %dma_start3A_540] : memref<200x4096x128xf32, #tpu.memory_space<any>> -> memref<1x4096x128xf32, #tpu.memory_space<any>>
      %dma_start3A_542 = tpu.memref_squeeze %dma_start3A_541 : memref<1x4096x128xf32, #tpu.memory_space<any>> -> memref<4096x128xf32, #tpu.memory_space<any>>
      tpu.enqueue_dma source(%dma_start3A_542 : memref<4096x128xf32, #tpu.memory_space<any>>) target(%arg3 : memref<4096x128xf32, #tpu.memory_space<vmem>>) target_semaphore(%arg7 : memref<!tpu.dma_semaphore, #tpu.memory_space<semaphore_mem>>)
      %mul3A_543 = arith.constant 2 : i32
      %mul3A_544 = arith.muli %mul3A_543, %add3A_367 : i32
      %add3A_545 = arith.constant 1 : i32
      %add3A_546 = arith.addi %mul3A_544, %add3A_545 : i32
      %dma_wait3A_547 = arith.constant 0 : i32
      %dma_wait3A_548 = arith.constant 0 : i32
      %dma_wait3A_549 = arith.constant 0 : i32
      %dma_wait3A_550 = tpu.memref_slice %arg1[%dma_wait3A_547, %dma_wait3A_548, %dma_wait3A_549] : memref<200x4096x128xf32, #tpu.memory_space<any>> -> memref<1x4096x128xf32, #tpu.memory_space<any>>
      %dma_wait3A_551 = tpu.memref_squeeze %dma_wait3A_550 : memref<1x4096x128xf32, #tpu.memory_space<any>> -> memref<4096x128xf32, #tpu.memory_space<any>>
      tpu.wait_dma2 semaphore(%arg8 : memref<!tpu.dma_semaphore, #tpu.memory_space<semaphore_mem>>) src(%dma_wait3A_551 : memref<4096x128xf32, #tpu.memory_space<any>>) dst(%arg4 : memref<4096x128xf32, #tpu.memory_space<vmem>>)
      %dma_wait3A_552 = arith.constant 0 : i32
      %dma_wait3A_553 = arith.constant 0 : i32
      %dma_wait3A_554 = arith.constant 0 : i32
      %dma_wait3A_555 = arith.constant 0 : i32
      %dma_wait3A_556 = arith.constant 0 : i32
      %dma_wait3A_557 = tpu.memref_slice %arg2[%dma_wait3A_552, %dma_wait3A_554, %dma_wait3A_553, %dma_wait3A_555, %dma_wait3A_556] : memref<200x32x4x32x128xf32, #tpu.memory_space<any>> -> memref<1x32x1x32x128xf32, #tpu.memory_space<any>>
      %dma_wait3A_558 = tpu.memref_squeeze %dma_wait3A_557 : memref<1x32x1x32x128xf32, #tpu.memory_space<any>> -> memref<32x32x128xf32, #tpu.memory_space<any>>
      %dma_wait3A_559 = arith.constant 0 : i32
      %dma_wait3A_560 = arith.constant 0 : i32
      %dma_wait3A_561 = arith.constant 0 : i32
      %dma_wait3A_562 = tpu.memref_slice %arg6[%dma_wait3A_559, %dma_wait3A_560, %dma_wait3A_561] : memref<128x32x128xf32, #tpu.memory_space<vmem>> -> memref<32x32x128xf32, #tpu.memory_space<vmem>>
      tpu.wait_dma2 semaphore(%arg10 : memref<!tpu.dma_semaphore, #tpu.memory_space<semaphore_mem>>) src(%dma_wait3A_562 : memref<32x32x128xf32, #tpu.memory_space<vmem>>) dst(%dma_wait3A_558 : memref<32x32x128xf32, #tpu.memory_space<any>>)
      %dma_wait3A_563 = arith.constant 0 : i32
      %dma_wait3A_564 = arith.constant 0 : i32
      %dma_wait3A_565 = arith.constant 0 : i32
      %dma_wait3A_566 = arith.constant 0 : i32
      %dma_wait3A_567 = arith.constant 0 : i32
      %dma_wait3A_568 = tpu.memref_slice %arg2[%dma_wait3A_563, %dma_wait3A_565, %dma_wait3A_564, %dma_wait3A_566, %dma_wait3A_567] : memref<200x32x4x32x128xf32, #tpu.memory_space<any>> -> memref<1x32x1x32x128xf32, #tpu.memory_space<any>>
      %dma_wait3A_569 = tpu.memref_squeeze %dma_wait3A_568 : memref<1x32x1x32x128xf32, #tpu.memory_space<any>> -> memref<32x32x128xf32, #tpu.memory_space<any>>
      %dma_wait3A_570 = arith.constant 0 : i32
      %dma_wait3A_571 = arith.constant 0 : i32
      %dma_wait3A_572 = arith.constant 0 : i32
      %dma_wait3A_573 = tpu.memref_slice %arg6[%dma_wait3A_570, %dma_wait3A_571, %dma_wait3A_572] : memref<128x32x128xf32, #tpu.memory_space<vmem>> -> memref<32x32x128xf32, #tpu.memory_space<vmem>>
      tpu.wait_dma2 semaphore(%arg10 : memref<!tpu.dma_semaphore, #tpu.memory_space<semaphore_mem>>) src(%dma_wait3A_573 : memref<32x32x128xf32, #tpu.memory_space<vmem>>) dst(%dma_wait3A_569 : memref<32x32x128xf32, #tpu.memory_space<any>>)
      %dma_wait3A_574 = arith.constant 0 : i32
      %dma_wait3A_575 = arith.constant 0 : i32
      %dma_wait3A_576 = arith.constant 0 : i32
      %dma_wait3A_577 = arith.constant 0 : i32
      %dma_wait3A_578 = arith.constant 0 : i32
      %dma_wait3A_579 = tpu.memref_slice %arg2[%dma_wait3A_574, %dma_wait3A_576, %dma_wait3A_575, %dma_wait3A_577, %dma_wait3A_578] : memref<200x32x4x32x128xf32, #tpu.memory_space<any>> -> memref<1x32x1x32x128xf32, #tpu.memory_space<any>>
      %dma_wait3A_580 = tpu.memref_squeeze %dma_wait3A_579 : memref<1x32x1x32x128xf32, #tpu.memory_space<any>> -> memref<32x32x128xf32, #tpu.memory_space<any>>
      %dma_wait3A_581 = arith.constant 0 : i32
      %dma_wait3A_582 = arith.constant 0 : i32
      %dma_wait3A_583 = arith.constant 0 : i32
      %dma_wait3A_584 = tpu.memref_slice %arg6[%dma_wait3A_581, %dma_wait3A_582, %dma_wait3A_583] : memref<128x32x128xf32, #tpu.memory_space<vmem>> -> memref<32x32x128xf32, #tpu.memory_space<vmem>>
      tpu.wait_dma2 semaphore(%arg10 : memref<!tpu.dma_semaphore, #tpu.memory_space<semaphore_mem>>) src(%dma_wait3A_584 : memref<32x32x128xf32, #tpu.memory_space<vmem>>) dst(%dma_wait3A_580 : memref<32x32x128xf32, #tpu.memory_space<any>>)
      %dma_wait3A_585 = arith.constant 0 : i32
      %dma_wait3A_586 = arith.constant 0 : i32
      %dma_wait3A_587 = arith.constant 0 : i32
      %dma_wait3A_588 = arith.constant 0 : i32
      %dma_wait3A_589 = arith.constant 0 : i32
      %dma_wait3A_590 = tpu.memref_slice %arg2[%dma_wait3A_585, %dma_wait3A_587, %dma_wait3A_586, %dma_wait3A_588, %dma_wait3A_589] : memref<200x32x4x32x128xf32, #tpu.memory_space<any>> -> memref<1x32x1x32x128xf32, #tpu.memory_space<any>>
      %dma_wait3A_591 = tpu.memref_squeeze %dma_wait3A_590 : memref<1x32x1x32x128xf32, #tpu.memory_space<any>> -> memref<32x32x128xf32, #tpu.memory_space<any>>
      %dma_wait3A_592 = arith.constant 0 : i32
      %dma_wait3A_593 = arith.constant 0 : i32
      %dma_wait3A_594 = arith.constant 0 : i32
      %dma_wait3A_595 = tpu.memref_slice %arg6[%dma_wait3A_592, %dma_wait3A_593, %dma_wait3A_594] : memref<128x32x128xf32, #tpu.memory_space<vmem>> -> memref<32x32x128xf32, #tpu.memory_space<vmem>>
      tpu.wait_dma2 semaphore(%arg10 : memref<!tpu.dma_semaphore, #tpu.memory_space<semaphore_mem>>) src(%dma_wait3A_595 : memref<32x32x128xf32, #tpu.memory_space<vmem>>) dst(%dma_wait3A_591 : memref<32x32x128xf32, #tpu.memory_space<any>>)
      %get3A_596 = arith.constant 0 : index
      %get3A_597 = arith.constant 0 : index
      %get3A_598 = vector.load %arg4[%get3A_596, %get3A_597] : memref<4096x128xf32, #tpu.memory_space<vmem>>, vector<512x128xf32>
      %transpose3A_599 = tpu.transpose %get3A_598, [1, 0] : vector<512x128xf32> -> vector<128x512xf32>
      %reshape3A_600 = vector.shape_cast %transpose3A_599 : vector<128x512xf32> to vector<128x4x128xf32>
      %swap3A_601 = arith.constant 0 : index
      %swap3A_602 = arith.constant 0 : index
      %swap3A_603 = arith.constant 0 : index
      %swap3A_604 = vector.load %arg6[%swap3A_601, %swap3A_602, %swap3A_603] : memref<128x32x128xf32, #tpu.memory_space<vmem>>, vector<128x4x128xf32>
      tpu.vector_store %arg6[%swap3A_601, %swap3A_602, %swap3A_603], %reshape3A_600 {strides = array<i32>} : memref<128x32x128xf32, #tpu.memory_space<vmem>>, vector<128x4x128xf32>,
      %get3A_605 = arith.constant 512 : index
      %get3A_606 = arith.constant 0 : index
      %get3A_607 = vector.load %arg4[%get3A_605, %get3A_606] : memref<4096x128xf32, #tpu.memory_space<vmem>>, vector<512x128xf32>
      %transpose3A_608 = tpu.transpose %get3A_607, [1, 0] : vector<512x128xf32> -> vector<128x512xf32>
      %reshape3A_609 = vector.shape_cast %transpose3A_608 : vector<128x512xf32> to vector<128x4x128xf32>
      %swap3A_610 = arith.constant 0 : index
      %swap3A_611 = arith.constant 4 : index
      %swap3A_612 = arith.constant 0 : index
      %swap3A_613 = vector.load %arg6[%swap3A_610, %swap3A_611, %swap3A_612] : memref<128x32x128xf32, #tpu.memory_space<vmem>>, vector<128x4x128xf32>
      tpu.vector_store %arg6[%swap3A_610, %swap3A_611, %swap3A_612], %reshape3A_609 {strides = array<i32>} : memref<128x32x128xf32, #tpu.memory_space<vmem>>, vector<128x4x128xf32>,
      %get3A_614 = arith.constant 1024 : index
      %get3A_615 = arith.constant 0 : index
      %get3A_616 = vector.load %arg4[%get3A_614, %get3A_615] : memref<4096x128xf32, #tpu.memory_space<vmem>>, vector<512x128xf32>
      %transpose3A_617 = tpu.transpose %get3A_616, [1, 0] : vector<512x128xf32> -> vector<128x512xf32>
      %reshape3A_618 = vector.shape_cast %transpose3A_617 : vector<128x512xf32> to vector<128x4x128xf32>
      %swap3A_619 = arith.constant 0 : index
      %swap3A_620 = arith.constant 8 : index
      %swap3A_621 = arith.constant 0 : index
      %swap3A_622 = vector.load %arg6[%swap3A_619, %swap3A_620, %swap3A_621] : memref<128x32x128xf32, #tpu.memory_space<vmem>>, vector<128x4x128xf32>
      tpu.vector_store %arg6[%swap3A_619, %swap3A_620, %swap3A_621], %reshape3A_618 {strides = array<i32>} : memref<128x32x128xf32, #tpu.memory_space<vmem>>, vector<128x4x128xf32>,
      %get3A_623 = arith.constant 1536 : index
      %get3A_624 = arith.constant 0 : index
      %get3A_625 = vector.load %arg4[%get3A_623, %get3A_624] : memref<4096x128xf32, #tpu.memory_space<vmem>>, vector<512x128xf32>
      %transpose3A_626 = tpu.transpose %get3A_625, [1, 0] : vector<512x128xf32> -> vector<128x512xf32>
      %reshape3A_627 = vector.shape_cast %transpose3A_626 : vector<128x512xf32> to vector<128x4x128xf32>
      %swap3A_628 = arith.constant 0 : index
      %swap3A_629 = arith.constant 12 : index
      %swap3A_630 = arith.constant 0 : index
      %swap3A_631 = vector.load %arg6[%swap3A_628, %swap3A_629, %swap3A_630] : memref<128x32x128xf32, #tpu.memory_space<vmem>>, vector<128x4x128xf32>
      tpu.vector_store %arg6[%swap3A_628, %swap3A_629, %swap3A_630], %reshape3A_627 {strides = array<i32>} : memref<128x32x128xf32, #tpu.memory_space<vmem>>, vector<128x4x128xf32>,
      %get3A_632 = arith.constant 2048 : index
      %get3A_633 = arith.constant 0 : index
      %get3A_634 = vector.load %arg4[%get3A_632, %get3A_633] : memref<4096x128xf32, #tpu.memory_space<vmem>>, vector<512x128xf32>
      %transpose3A_635 = tpu.transpose %get3A_634, [1, 0] : vector<512x128xf32> -> vector<128x512xf32>
      %reshape3A_636 = vector.shape_cast %transpose3A_635 : vector<128x512xf32> to vector<128x4x128xf32>
      %swap3A_637 = arith.constant 0 : index
      %swap3A_638 = arith.constant 16 : index
      %swap3A_639 = arith.constant 0 : index
      %swap3A_640 = vector.load %arg6[%swap3A_637, %swap3A_638, %swap3A_639] : memref<128x32x128xf32, #tpu.memory_space<vmem>>, vector<128x4x128xf32>
      tpu.vector_store %arg6[%swap3A_637, %swap3A_638, %swap3A_639], %reshape3A_636 {strides = array<i32>} : memref<128x32x128xf32, #tpu.memory_space<vmem>>, vector<128x4x128xf32>,
      %get3A_641 = arith.constant 2560 : index
      %get3A_642 = arith.constant 0 : index
      %get3A_643 = vector.load %arg4[%get3A_641, %get3A_642] : memref<4096x128xf32, #tpu.memory_space<vmem>>, vector<512x128xf32>
      %transpose3A_644 = tpu.transpose %get3A_643, [1, 0] : vector<512x128xf32> -> vector<128x512xf32>
      %reshape3A_645 = vector.shape_cast %transpose3A_644 : vector<128x512xf32> to vector<128x4x128xf32>
      %swap3A_646 = arith.constant 0 : index
      %swap3A_647 = arith.constant 20 : index
      %swap3A_648 = arith.constant 0 : index
      %swap3A_649 = vector.load %arg6[%swap3A_646, %swap3A_647, %swap3A_648] : memref<128x32x128xf32, #tpu.memory_space<vmem>>, vector<128x4x128xf32>
      tpu.vector_store %arg6[%swap3A_646, %swap3A_647, %swap3A_648], %reshape3A_645 {strides = array<i32>} : memref<128x32x128xf32, #tpu.memory_space<vmem>>, vector<128x4x128xf32>,
      %get3A_650 = arith.constant 3072 : index
      %get3A_651 = arith.constant 0 : index
      %get3A_652 = vector.load %arg4[%get3A_650, %get3A_651] : memref<4096x128xf32, #tpu.memory_space<vmem>>, vector<512x128xf32>
      %transpose3A_653 = tpu.transpose %get3A_652, [1, 0] : vector<512x128xf32> -> vector<128x512xf32>
      %reshape3A_654 = vector.shape_cast %transpose3A_653 : vector<128x512xf32> to vector<128x4x128xf32>
      %swap3A_655 = arith.constant 0 : index
      %swap3A_656 = arith.constant 24 : index
      %swap3A_657 = arith.constant 0 : index
      %swap3A_658 = vector.load %arg6[%swap3A_655, %swap3A_656, %swap3A_657] : memref<128x32x128xf32, #tpu.memory_space<vmem>>, vector<128x4x128xf32>
      tpu.vector_store %arg6[%swap3A_655, %swap3A_656, %swap3A_657], %reshape3A_654 {strides = array<i32>} : memref<128x32x128xf32, #tpu.memory_space<vmem>>, vector<128x4x128xf32>,
      %get3A_659 = arith.constant 3584 : index
      %get3A_660 = arith.constant 0 : index
      %get3A_661 = vector.load %arg4[%get3A_659, %get3A_660] : memref<4096x128xf32, #tpu.memory_space<vmem>>, vector<512x128xf32>
      %transpose3A_662 = tpu.transpose %get3A_661, [1, 0] : vector<512x128xf32> -> vector<128x512xf32>
      %reshape3A_663 = vector.shape_cast %transpose3A_662 : vector<128x512xf32> to vector<128x4x128xf32>
      %swap3A_664 = arith.constant 0 : index
      %swap3A_665 = arith.constant 28 : index
      %swap3A_666 = arith.constant 0 : index
      %swap3A_667 = vector.load %arg6[%swap3A_664, %swap3A_665, %swap3A_666] : memref<128x32x128xf32, #tpu.memory_space<vmem>>, vector<128x4x128xf32>
      tpu.vector_store %arg6[%swap3A_664, %swap3A_665, %swap3A_666], %reshape3A_663 {strides = array<i32>} : memref<128x32x128xf32, #tpu.memory_space<vmem>>, vector<128x4x128xf32>,
      %add3A_668 = arith.addi %mul3A_0, %add3A_546 : i32
      %dma_start3A_669 = arith.constant 0 : i32
      %dma_start3A_670 = arith.constant 0 : i32
      %dma_start3A_671 = arith.constant 0 : i32
      %dma_start3A_672 = arith.constant 0 : i32
      %dma_start3A_673 = tpu.memref_slice %arg2[%add3A_668, %dma_start3A_670, %dma_start3A_669, %dma_start3A_671, %dma_start3A_672] : memref<200x32x4x32x128xf32, #tpu.memory_space<any>> -> memref<1x32x1x32x128xf32, #tpu.memory_space<any>>
      %dma_start3A_674 = tpu.memref_squeeze %dma_start3A_673 : memref<1x32x1x32x128xf32, #tpu.memory_space<any>> -> memref<32x32x128xf32, #tpu.memory_space<any>>
      %dma_start3A_675 = arith.constant 0 : i32
      %dma_start3A_676 = arith.constant 0 : i32
      %dma_start3A_677 = arith.constant 0 : i32
      %dma_start3A_678 = tpu.memref_slice %arg6[%dma_start3A_675, %dma_start3A_676, %dma_start3A_677] : memref<128x32x128xf32, #tpu.memory_space<vmem>> -> memref<32x32x128xf32, #tpu.memory_space<vmem>>
      tpu.enqueue_dma source(%dma_start3A_678 : memref<32x32x128xf32, #tpu.memory_space<vmem>>) target(%dma_start3A_674 : memref<32x32x128xf32, #tpu.memory_space<any>>) target_semaphore(%arg10 : memref<!tpu.dma_semaphore, #tpu.memory_space<semaphore_mem>>)
      %dma_start3A_679 = arith.constant 1 : i32
      %dma_start3A_680 = arith.constant 0 : i32
      %dma_start3A_681 = arith.constant 0 : i32
      %dma_start3A_682 = arith.constant 0 : i32
      %dma_start3A_683 = tpu.memref_slice %arg2[%add3A_668, %dma_start3A_680, %dma_start3A_679, %dma_start3A_681, %dma_start3A_682] : memref<200x32x4x32x128xf32, #tpu.memory_space<any>> -> memref<1x32x1x32x128xf32, #tpu.memory_space<any>>
      %dma_start3A_684 = tpu.memref_squeeze %dma_start3A_683 : memref<1x32x1x32x128xf32, #tpu.memory_space<any>> -> memref<32x32x128xf32, #tpu.memory_space<any>>
      %dma_start3A_685 = arith.constant 32 : i32
      %dma_start3A_686 = arith.constant 0 : i32
      %dma_start3A_687 = arith.constant 0 : i32
      %dma_start3A_688 = tpu.memref_slice %arg6[%dma_start3A_685, %dma_start3A_686, %dma_start3A_687] : memref<128x32x128xf32, #tpu.memory_space<vmem>> -> memref<32x32x128xf32, #tpu.memory_space<vmem>>
      tpu.enqueue_dma source(%dma_start3A_688 : memref<32x32x128xf32, #tpu.memory_space<vmem>>) target(%dma_start3A_684 : memref<32x32x128xf32, #tpu.memory_space<any>>) target_semaphore(%arg10 : memref<!tpu.dma_semaphore, #tpu.memory_space<semaphore_mem>>)
      %dma_start3A_689 = arith.constant 2 : i32
      %dma_start3A_690 = arith.constant 0 : i32
      %dma_start3A_691 = arith.constant 0 : i32
      %dma_start3A_692 = arith.constant 0 : i32
      %dma_start3A_693 = tpu.memref_slice %arg2[%add3A_668, %dma_start3A_690, %dma_start3A_689, %dma_start3A_691, %dma_start3A_692] : memref<200x32x4x32x128xf32, #tpu.memory_space<any>> -> memref<1x32x1x32x128xf32, #tpu.memory_space<any>>
      %dma_start3A_694 = tpu.memref_squeeze %dma_start3A_693 : memref<1x32x1x32x128xf32, #tpu.memory_space<any>> -> memref<32x32x128xf32, #tpu.memory_space<any>>
      %dma_start3A_695 = arith.constant 64 : i32
      %dma_start3A_696 = arith.constant 0 : i32
      %dma_start3A_697 = arith.constant 0 : i32
      %dma_start3A_698 = tpu.memref_slice %arg6[%dma_start3A_695, %dma_start3A_696, %dma_start3A_697] : memref<128x32x128xf32, #tpu.memory_space<vmem>> -> memref<32x32x128xf32, #tpu.memory_space<vmem>>
      tpu.enqueue_dma source(%dma_start3A_698 : memref<32x32x128xf32, #tpu.memory_space<vmem>>) target(%dma_start3A_694 : memref<32x32x128xf32, #tpu.memory_space<any>>) target_semaphore(%arg10 : memref<!tpu.dma_semaphore, #tpu.memory_space<semaphore_mem>>)
      %dma_start3A_699 = arith.constant 3 : i32
      %dma_start3A_700 = arith.constant 0 : i32
      %dma_start3A_701 = arith.constant 0 : i32
      %dma_start3A_702 = arith.constant 0 : i32
      %dma_start3A_703 = tpu.memref_slice %arg2[%add3A_668, %dma_start3A_700, %dma_start3A_699, %dma_start3A_701, %dma_start3A_702] : memref<200x32x4x32x128xf32, #tpu.memory_space<any>> -> memref<1x32x1x32x128xf32, #tpu.memory_space<any>>
      %dma_start3A_704 = tpu.memref_squeeze %dma_start3A_703 : memref<1x32x1x32x128xf32, #tpu.memory_space<any>> -> memref<32x32x128xf32, #tpu.memory_space<any>>
      %dma_start3A_705 = arith.constant 96 : i32
      %dma_start3A_706 = arith.constant 0 : i32
      %dma_start3A_707 = arith.constant 0 : i32
      %dma_start3A_708 = tpu.memref_slice %arg6[%dma_start3A_705, %dma_start3A_706, %dma_start3A_707] : memref<128x32x128xf32, #tpu.memory_space<vmem>> -> memref<32x32x128xf32, #tpu.memory_space<vmem>>
      tpu.enqueue_dma source(%dma_start3A_708 : memref<32x32x128xf32, #tpu.memory_space<vmem>>) target(%dma_start3A_704 : memref<32x32x128xf32, #tpu.memory_space<any>>) target_semaphore(%arg10 : memref<!tpu.dma_semaphore, #tpu.memory_space<semaphore_mem>>)
      %add3A_709 = arith.constant 2 : i32
      %add3A_710 = arith.addi %add3A_546, %add3A_709 : i32
      %min3A_711 = arith.constant 99 : i32
      %min3A_712 = arith.minsi %add3A_710, %min3A_711 : i32
      %add3A_713 = arith.addi %mul3A_0, %min3A_712 : i32
      %dma_start3A_714 = arith.constant 0 : i32
      %dma_start3A_715 = arith.constant 0 : i32
      %dma_start3A_716 = tpu.memref_slice %arg1[%add3A_713, %dma_start3A_714, %dma_start3A_715] : memref<200x4096x128xf32, #tpu.memory_space<any>> -> memref<1x4096x128xf32, #tpu.memory_space<any>>
      %dma_start3A_717 = tpu.memref_squeeze %dma_start3A_716 : memref<1x4096x128xf32, #tpu.memory_space<any>> -> memref<4096x128xf32, #tpu.memory_space<any>>
      tpu.enqueue_dma source(%dma_start3A_717 : memref<4096x128xf32, #tpu.memory_space<any>>) target(%arg4 : memref<4096x128xf32, #tpu.memory_space<vmem>>) target_semaphore(%arg8 : memref<!tpu.dma_semaphore, #tpu.memory_space<semaphore_mem>>)
    }
    %scan3A_264 = arith.constant 49 : i32
    %dma_wait3A_265 = arith.constant 0 : i32
    %dma_wait3A_266 = arith.constant 0 : i32
    %dma_wait3A_267 = arith.constant 0 : i32
    %dma_wait3A_268 = tpu.memref_slice %arg1[%dma_wait3A_265, %dma_wait3A_266, %dma_wait3A_267] : memref<200x4096x128xf32, #tpu.memory_space<any>> -> memref<1x4096x128xf32, #tpu.memory_space<any>>
    %dma_wait3A_269 = tpu.memref_squeeze %dma_wait3A_268 : memref<1x4096x128xf32, #tpu.memory_space<any>> -> memref<4096x128xf32, #tpu.memory_space<any>>
    tpu.wait_dma2 semaphore(%arg7 : memref<!tpu.dma_semaphore, #tpu.memory_space<semaphore_mem>>) src(%dma_wait3A_269 : memref<4096x128xf32, #tpu.memory_space<any>>) dst(%arg3 : memref<4096x128xf32, #tpu.memory_space<vmem>>)
    %dma_wait3A_270 = arith.constant 0 : i32
    %dma_wait3A_271 = arith.constant 0 : i32
    %dma_wait3A_272 = arith.constant 0 : i32
    %dma_wait3A_273 = tpu.memref_slice %arg1[%dma_wait3A_270, %dma_wait3A_271, %dma_wait3A_272] : memref<200x4096x128xf32, #tpu.memory_space<any>> -> memref<1x4096x128xf32, #tpu.memory_space<any>>
    %dma_wait3A_274 = tpu.memref_squeeze %dma_wait3A_273 : memref<1x4096x128xf32, #tpu.memory_space<any>> -> memref<4096x128xf32, #tpu.memory_space<any>>
    tpu.wait_dma2 semaphore(%arg8 : memref<!tpu.dma_semaphore, #tpu.memory_space<semaphore_mem>>) src(%dma_wait3A_274 : memref<4096x128xf32, #tpu.memory_space<any>>) dst(%arg4 : memref<4096x128xf32, #tpu.memory_space<vmem>>)
    %dma_wait3A_275 = arith.constant 0 : i32
    %dma_wait3A_276 = arith.constant 0 : i32
    %dma_wait3A_277 = arith.constant 0 : i32
    %dma_wait3A_278 = arith.constant 0 : i32
    %dma_wait3A_279 = arith.constant 0 : i32
    %dma_wait3A_280 = tpu.memref_slice %arg2[%dma_wait3A_275, %dma_wait3A_277, %dma_wait3A_276, %dma_wait3A_278, %dma_wait3A_279] : memref<200x32x4x32x128xf32, #tpu.memory_space<any>> -> memref<1x32x1x32x128xf32, #tpu.memory_space<any>>
    %dma_wait3A_281 = tpu.memref_squeeze %dma_wait3A_280 : memref<1x32x1x32x128xf32, #tpu.memory_space<any>> -> memref<32x32x128xf32, #tpu.memory_space<any>>
    %dma_wait3A_282 = arith.constant 0 : i32
    %dma_wait3A_283 = arith.constant 0 : i32
    %dma_wait3A_284 = arith.constant 0 : i32
    %dma_wait3A_285 = tpu.memref_slice %arg5[%dma_wait3A_282, %dma_wait3A_283, %dma_wait3A_284] : memref<128x32x128xf32, #tpu.memory_space<vmem>> -> memref<32x32x128xf32, #tpu.memory_space<vmem>>
    tpu.wait_dma2 semaphore(%arg9 : memref<!tpu.dma_semaphore, #tpu.memory_space<semaphore_mem>>) src(%dma_wait3A_285 : memref<32x32x128xf32, #tpu.memory_space<vmem>>) dst(%dma_wait3A_281 : memref<32x32x128xf32, #tpu.memory_space<any>>)
    %dma_wait3A_286 = arith.constant 0 : i32
    %dma_wait3A_287 = arith.constant 0 : i32
    %dma_wait3A_288 = arith.constant 0 : i32
    %dma_wait3A_289 = arith.constant 0 : i32
    %dma_wait3A_290 = arith.constant 0 : i32
    %dma_wait3A_291 = tpu.memref_slice %arg2[%dma_wait3A_286, %dma_wait3A_288, %dma_wait3A_287, %dma_wait3A_289, %dma_wait3A_290] : memref<200x32x4x32x128xf32, #tpu.memory_space<any>> -> memref<1x32x1x32x128xf32, #tpu.memory_space<any>>
    %dma_wait3A_292 = tpu.memref_squeeze %dma_wait3A_291 : memref<1x32x1x32x128xf32, #tpu.memory_space<any>> -> memref<32x32x128xf32, #tpu.memory_space<any>>
    %dma_wait3A_293 = arith.constant 0 : i32
    %dma_wait3A_294 = arith.constant 0 : i32
    %dma_wait3A_295 = arith.constant 0 : i32
    %dma_wait3A_296 = tpu.memref_slice %arg5[%dma_wait3A_293, %dma_wait3A_294, %dma_wait3A_295] : memref<128x32x128xf32, #tpu.memory_space<vmem>> -> memref<32x32x128xf32, #tpu.memory_space<vmem>>
    tpu.wait_dma2 semaphore(%arg9 : memref<!tpu.dma_semaphore, #tpu.memory_space<semaphore_mem>>) src(%dma_wait3A_296 : memref<32x32x128xf32, #tpu.memory_space<vmem>>) dst(%dma_wait3A_292 : memref<32x32x128xf32, #tpu.memory_space<any>>)
    %dma_wait3A_297 = arith.constant 0 : i32
    %dma_wait3A_298 = arith.constant 0 : i32
    %dma_wait3A_299 = arith.constant 0 : i32
    %dma_wait3A_300 = arith.constant 0 : i32
    %dma_wait3A_301 = arith.constant 0 : i32
    %dma_wait3A_302 = tpu.memref_slice %arg2[%dma_wait3A_297, %dma_wait3A_299, %dma_wait3A_298, %dma_wait3A_300, %dma_wait3A_301] : memref<200x32x4x32x128xf32, #tpu.memory_space<any>> -> memref<1x32x1x32x128xf32, #tpu.memory_space<any>>
    %dma_wait3A_303 = tpu.memref_squeeze %dma_wait3A_302 : memref<1x32x1x32x128xf32, #tpu.memory_space<any>> -> memref<32x32x128xf32, #tpu.memory_space<any>>
    %dma_wait3A_304 = arith.constant 0 : i32
    %dma_wait3A_305 = arith.constant 0 : i32
    %dma_wait3A_306 = arith.constant 0 : i32
    %dma_wait3A_307 = tpu.memref_slice %arg5[%dma_wait3A_304, %dma_wait3A_305, %dma_wait3A_306] : memref<128x32x128xf32, #tpu.memory_space<vmem>> -> memref<32x32x128xf32, #tpu.memory_space<vmem>>
    tpu.wait_dma2 semaphore(%arg9 : memref<!tpu.dma_semaphore, #tpu.memory_space<semaphore_mem>>) src(%dma_wait3A_307 : memref<32x32x128xf32, #tpu.memory_space<vmem>>) dst(%dma_wait3A_303 : memref<32x32x128xf32, #tpu.memory_space<any>>)
    %dma_wait3A_308 = arith.constant 0 : i32
    %dma_wait3A_309 = arith.constant 0 : i32
    %dma_wait3A_310 = arith.constant 0 : i32
    %dma_wait3A_311 = arith.constant 0 : i32
    %dma_wait3A_312 = arith.constant 0 : i32
    %dma_wait3A_313 = tpu.memref_slice %arg2[%dma_wait3A_308, %dma_wait3A_310, %dma_wait3A_309, %dma_wait3A_311, %dma_wait3A_312] : memref<200x32x4x32x128xf32, #tpu.memory_space<any>> -> memref<1x32x1x32x128xf32, #tpu.memory_space<any>>
    %dma_wait3A_314 = tpu.memref_squeeze %dma_wait3A_313 : memref<1x32x1x32x128xf32, #tpu.memory_space<any>> -> memref<32x32x128xf32, #tpu.memory_space<any>>
    %dma_wait3A_315 = arith.constant 0 : i32
    %dma_wait3A_316 = arith.constant 0 : i32
    %dma_wait3A_317 = arith.constant 0 : i32
    %dma_wait3A_318 = tpu.memref_slice %arg5[%dma_wait3A_315, %dma_wait3A_316, %dma_wait3A_317] : memref<128x32x128xf32, #tpu.memory_space<vmem>> -> memref<32x32x128xf32, #tpu.memory_space<vmem>>
    tpu.wait_dma2 semaphore(%arg9 : memref<!tpu.dma_semaphore, #tpu.memory_space<semaphore_mem>>) src(%dma_wait3A_318 : memref<32x32x128xf32, #tpu.memory_space<vmem>>) dst(%dma_wait3A_314 : memref<32x32x128xf32, #tpu.memory_space<any>>)
    %dma_wait3A_319 = arith.constant 0 : i32
    %dma_wait3A_320 = arith.constant 0 : i32
    %dma_wait3A_321 = arith.constant 0 : i32
    %dma_wait3A_322 = arith.constant 0 : i32
    %dma_wait3A_323 = arith.constant 0 : i32
    %dma_wait3A_324 = tpu.memref_slice %arg2[%dma_wait3A_319, %dma_wait3A_321, %dma_wait3A_320, %dma_wait3A_322, %dma_wait3A_323] : memref<200x32x4x32x128xf32, #tpu.memory_space<any>> -> memref<1x32x1x32x128xf32, #tpu.memory_space<any>>
    %dma_wait3A_325 = tpu.memref_squeeze %dma_wait3A_324 : memref<1x32x1x32x128xf32, #tpu.memory_space<any>> -> memref<32x32x128xf32, #tpu.memory_space<any>>
    %dma_wait3A_326 = arith.constant 0 : i32
    %dma_wait3A_327 = arith.constant 0 : i32
    %dma_wait3A_328 = arith.constant 0 : i32
    %dma_wait3A_329 = tpu.memref_slice %arg6[%dma_wait3A_326, %dma_wait3A_327, %dma_wait3A_328] : memref<128x32x128xf32, #tpu.memory_space<vmem>> -> memref<32x32x128xf32, #tpu.memory_space<vmem>>
    tpu.wait_dma2 semaphore(%arg10 : memref<!tpu.dma_semaphore, #tpu.memory_space<semaphore_mem>>) src(%dma_wait3A_329 : memref<32x32x128xf32, #tpu.memory_space<vmem>>) dst(%dma_wait3A_325 : memref<32x32x128xf32, #tpu.memory_space<any>>)
    %dma_wait3A_330 = arith.constant 0 : i32
    %dma_wait3A_331 = arith.constant 0 : i32
    %dma_wait3A_332 = arith.constant 0 : i32
    %dma_wait3A_333 = arith.constant 0 : i32
    %dma_wait3A_334 = arith.constant 0 : i32
    %dma_wait3A_335 = tpu.memref_slice %arg2[%dma_wait3A_330, %dma_wait3A_332, %dma_wait3A_331, %dma_wait3A_333, %dma_wait3A_334] : memref<200x32x4x32x128xf32, #tpu.memory_space<any>> -> memref<1x32x1x32x128xf32, #tpu.memory_space<any>>
    %dma_wait3A_336 = tpu.memref_squeeze %dma_wait3A_335 : memref<1x32x1x32x128xf32, #tpu.memory_space<any>> -> memref<32x32x128xf32, #tpu.memory_space<any>>
    %dma_wait3A_337 = arith.constant 0 : i32
    %dma_wait3A_338 = arith.constant 0 : i32
    %dma_wait3A_339 = arith.constant 0 : i32
    %dma_wait3A_340 = tpu.memref_slice %arg6[%dma_wait3A_337, %dma_wait3A_338, %dma_wait3A_339] : memref<128x32x128xf32, #tpu.memory_space<vmem>> -> memref<32x32x128xf32, #tpu.memory_space<vmem>>
    tpu.wait_dma2 semaphore(%arg10 : memref<!tpu.dma_semaphore, #tpu.memory_space<semaphore_mem>>) src(%dma_wait3A_340 : memref<32x32x128xf32, #tpu.memory_space<vmem>>) dst(%dma_wait3A_336 : memref<32x32x128xf32, #tpu.memory_space<any>>)
    %dma_wait3A_341 = arith.constant 0 : i32
    %dma_wait3A_342 = arith.constant 0 : i32
    %dma_wait3A_343 = arith.constant 0 : i32
    %dma_wait3A_344 = arith.constant 0 : i32
    %dma_wait3A_345 = arith.constant 0 : i32
    %dma_wait3A_346 = tpu.memref_slice %arg2[%dma_wait3A_341, %dma_wait3A_343, %dma_wait3A_342, %dma_wait3A_344, %dma_wait3A_345] : memref<200x32x4x32x128xf32, #tpu.memory_space<any>> -> memref<1x32x1x32x128xf32, #tpu.memory_space<any>>
    %dma_wait3A_347 = tpu.memref_squeeze %dma_wait3A_346 : memref<1x32x1x32x128xf32, #tpu.memory_space<any>> -> memref<32x32x128xf32, #tpu.memory_space<any>>
    %dma_wait3A_348 = arith.constant 0 : i32
    %dma_wait3A_349 = arith.constant 0 : i32
    %dma_wait3A_350 = arith.constant 0 : i32
    %dma_wait3A_351 = tpu.memref_slice %arg6[%dma_wait3A_348, %dma_wait3A_349, %dma_wait3A_350] : memref<128x32x128xf32, #tpu.memory_space<vmem>> -> memref<32x32x128xf32, #tpu.memory_space<vmem>>
    tpu.wait_dma2 semaphore(%arg10 : memref<!tpu.dma_semaphore, #tpu.memory_space<semaphore_mem>>) src(%dma_wait3A_351 : memref<32x32x128xf32, #tpu.memory_space<vmem>>) dst(%dma_wait3A_347 : memref<32x32x128xf32, #tpu.memory_space<any>>)
    %dma_wait3A_352 = arith.constant 0 : i32
    %dma_wait3A_353 = arith.constant 0 : i32
    %dma_wait3A_354 = arith.constant 0 : i32
    %dma_wait3A_355 = arith.constant 0 : i32
    %dma_wait3A_356 = arith.constant 0 : i32
    %dma_wait3A_357 = tpu.memref_slice %arg2[%dma_wait3A_352, %dma_wait3A_354, %dma_wait3A_353, %dma_wait3A_355, %dma_wait3A_356] : memref<200x32x4x32x128xf32, #tpu.memory_space<any>> -> memref<1x32x1x32x128xf32, #tpu.memory_space<any>>
    %dma_wait3A_358 = tpu.memref_squeeze %dma_wait3A_357 : memref<1x32x1x32x128xf32, #tpu.memory_space<any>> -> memref<32x32x128xf32, #tpu.memory_space<any>>
    %dma_wait3A_359 = arith.constant 0 : i32
    %dma_wait3A_360 = arith.constant 0 : i32
    %dma_wait3A_361 = arith.constant 0 : i32
    %dma_wait3A_362 = tpu.memref_slice %arg6[%dma_wait3A_359, %dma_wait3A_360, %dma_wait3A_361] : memref<128x32x128xf32, #tpu.memory_space<vmem>> -> memref<32x32x128xf32, #tpu.memory_space<vmem>>
    tpu.wait_dma2 semaphore(%arg10 : memref<!tpu.dma_semaphore, #tpu.memory_space<semaphore_mem>>) src(%dma_wait3A_362 : memref<32x32x128xf32, #tpu.memory_space<vmem>>) dst(%dma_wait3A_358 : memref<32x32x128xf32, #tpu.memory_space<any>>)
    return
  }
}

</mosaic_0001>

<sc_bundles>
// kernel: kernel.4.cloned.1.call-start
scs
__scs_entry_jumppad:
0x0: {  	(pc) =	sbr.rel $0x88, $3  }
0x1: {  	(tag) =	ssettag $0x0;
	lr =	simm.s32 $0x1  }
0x2: {  	[smem:$0x3F9F] =	sst lr;
	_ =	strace $0xD0000000  }
0x3: {  	_ = 	snop  }
0x4: {  	_ = 	snop  }
0x5: {  	_ = 	snop  }
0x6: {  	_ = 	snop  }
0x7: {  	_ = 	snop  }
__scs_overlays_trampoline_lowered:
0x8: {  	[smem:$0x3FAE] =	sst s0  }
0x9: {  	[smem:$0x3FAF] =	sst s1  }
0xa: {  	[smem:$0x3FB0] =	sst s2  }
0xb: {  	[smem:$0x3FB1] =	sst s3  }
0xc: {  	[smem:$0x3FB2] =	sst s4  }
0xd: {  	[smem:$0x3FB3] =	sst s5  }
0xe: {  	[smem:$0x3FB4] =	sst s6  }
0xf: {  	[smem:$0x3FB5] =	sst s7  }
0x10: {  	[smem:$0x3FB6] =	sst s8  }
0x11: {  	[smem:$0x3FB7] =	sst s9;
	s0 =	simm.s32 @!p0 $0x0  }
0x12: {  	s1 =	sld [smem:$0x3F9D];
	s0 =	simm.s32 @p0 $0x1  }
0x13: {  	[smem:$0x3FB8] =	sst s0;
	s0 =	simm.s32 @!p1 $0x0  }
0x14: {  	s2 =	sld [smem:$0x3F9C];
	s0 =	simm.s32 @p1 $0x1  }
0x15: {  	[smem:$0x3FB9] =	sst s0;
	s0 =	simm.s32 @!p2 $0x0  }
0x16: {  	s3 =	sld [smem:$0x3FDB];
	s0 =	simm.s32 @p2 $0x1  }
0x17: {  	s4 =	simm.s32 $0x1BF5;
	[smem:$0x3FBB] =	sst s0  }
0x18: {  	s0 =	sld [smem:$0x3F9E];
	_ =	swait.ge [sflag:s4], $0x0  }
0x19: {  	s7 =	sld [smem:$0x3F9F]  }
0x1a: {  	s8 =	sadd.s32 $0xFFFFE003, lr  }
0x1b: {  	s9 =	sadd.s32 $0xFFFFFEF7, lr;
	s5 =	simm.s32 $0xFFFFFFFF;
	p2 =	slt.u32 s8, $0xFFFFF086  }
0x1c: {  	p1 =	slt.u32 s9, $0xF7A;
	s5 =	simm.s32 @!p2 $0x0  }
0x1d: {  	s5 =	simm.s32 @p1 $0x1;
	p0 =	seq.s32 s7, s2  }
0x1e: {  	s7 =	smul.u32 @!p0 $0xF7A, s2;
	p2 =	seq.s32 @!p0 s5, $0x0  }
0x1f: {  	s9 =	smul.u32 $0xF7A, s1;
	s8 =	simm.s32 @!p0 $0x1BF5;
	p2 =	por !p2, p0  }
0x20: {  	[sflag:s8] =	ssyncset.s32 @!p0 $0xFFFFF086;
	s6 =	sadd.s32 @!p0 s3, s7;
	s7 =	simm.s32 @!p0 $0x108  }
0x21: {  	s3 =	sadd.s32 s3, s9;
	s6 =	sadd.s32 @!p0 $0x88, s6;
	s7 =	simm.s32 @p2 $0x1082  }
0x22: {  	[simem:s7], [sflag:s8] =	dma.local @!p0 [hbm:s6], $0xF7A  }
0x23: {  	s9 =	sor.u32 $0xD0000000, s2;
	s6 =	simm.s32 $0x108;
	_ =	swait.ge @!p0 [sflag:s8], $0x0  }
0x24: {  	s3 =	sadd.s32 $0x88, s3;
	s6 =	simm.s32 @!p1 $0x1082;
	[sflag:s4] =	ssyncset.s32 $0xFFFFF086  }
0x25: {  	[simem:s6], [sflag:s4] =	dma.local [hbm:s3], $0xF7A  }
0x26: {  	[smem:$0x3F9F] =	sst s1;
	(tag) =	ssettag s2;
	_ =	strace s9  }
0x27: {  	s1 =	sld [smem:$0x3FAF]  }
0x28: {  	s2 =	sld [smem:$0x3FB0]  }
0x29: {  	s4 =	sld [smem:$0x3FB2]  }
0x2a: {  	p0 =	seq.s32 s5, $0x0;
	s5 =	sld [smem:$0x3FB3]  }
0x2b: {  	s6 =	sld [smem:$0x3FB4]  }
0x2c: {  	s7 =	sld [smem:$0x3FB5]  }
0x2d: {  	s3 =	simm.s32 $0x108;
	s8 =	sld [smem:$0x3FB6]  }
0x2e: {  	s3 =	simm.s32 @!p0 $0x1082;
	s9 =	sld [smem:$0x3FB7]  }
0x2f: {  	lr =	sadd.s32 s0, s3;
	s0 =	sld [smem:$0x3FAE]  }
0x30: {  	s3 =	sld [smem:$0x3FB1]  }
0x31: {  	[smem:$0x3FBA] =	sst s10  }
0x32: {  	s10 =	sld [smem:$0x3FB8];
	_ =	sdelay $0x3  }
0x33: {  	p0 =	seq.s32 s10, $0x1;
	s10 =	sld [smem:$0x3FBA];
	_ =	sdelay $0x3  }
0x34: {  	[smem:$0x3FBA] =	sst s10  }
0x35: {  	s10 =	sld [smem:$0x3FB9];
	_ =	sdelay $0x3  }
0x36: {  	p1 =	seq.s32 s10, $0x1;
	s10 =	sld [smem:$0x3FBA];
	_ =	sdelay $0x3  }
0x37: {  	[smem:$0x3FBA] =	sst s10  }
0x38: {  	s10 =	sld [smem:$0x3FBB]  }
0x39: {  	_ = 	snop;
	(pc) =	sbr.ind lr, $3  }
0x3a: {  	_ = 	snop  }
0x3b: {  	_ = 	snop  }
0x3c: {  	p2 =	seq.s32 s10, $0x1;
	s10 =	sld [smem:$0x3FBA]  }
0x3d: {  	_ =	shalt  }
0x3e: {  	_ =	shalt  }
0x3f: {  	_ =	shalt  }
0x40: {  	_ =	shalt  }
0x41: {  	_ =	shalt  }
0x42: {  	_ =	shalt  }
0x43: {  	_ =	shalt  }
0x44: {  	_ =	shalt  }
0x45: {  	_ =	shalt  }
0x46: {  	_ =	shalt  }
0x47: {  	_ =	shalt  }
0x48: {  	_ =	shalt  }
0x49: {  	_ =	shalt  }
0x4a: {  	_ =	shalt  }
0x4b: {  	_ =	shalt  }
0x4c: {  	_ =	shalt  }
0x4d: {  	_ =	shalt  }
0x4e: {  	_ =	shalt  }
0x4f: {  	_ =	shalt  }
0x50: {  	_ =	shalt  }
0x51: {  	_ =	shalt  }
0x52: {  	_ =	shalt  }
0x53: {  	_ =	shalt  }
0x54: {  	_ =	shalt  }
0x55: {  	_ =	shalt  }
0x56: {  	_ =	shalt  }
0x57: {  	_ =	shalt  }
0x58: {  	_ =	shalt  }
0x59: {  	_ =	shalt  }
0x5a: {  	_ =	shalt  }
0x5b: {  	_ =	shalt  }
0x5c: {  	_ =	shalt  }
0x5d: {  	_ =	shalt  }
0x5e: {  	_ =	shalt  }
0x5f: {  	_ =	shalt  }
0x60: {  	_ =	shalt  }
0x61: {  	_ =	shalt  }
0x62: {  	_ =	shalt  }
0x63: {  	_ =	shalt  }
0x64: {  	_ =	shalt  }
0x65: {  	_ =	shalt  }
0x66: {  	_ =	shalt  }
0x67: {  	_ =	shalt  }
0x68: {  	_ =	shalt  }
0x69: {  	_ =	shalt  }
0x6a: {  	_ =	shalt  }
0x6b: {  	_ =	shalt  }
0x6c: {  	_ =	shalt  }
0x6d: {  	_ =	shalt  }
0x6e: {  	_ =	shalt  }
0x6f: {  	_ =	shalt  }
0x70: {  	_ =	shalt  }
0x71: {  	_ =	shalt  }
0x72: {  	_ =	shalt  }
0x73: {  	_ =	shalt  }
0x74: {  	_ =	shalt  }
0x75: {  	_ =	shalt  }
0x76: {  	_ =	shalt  }
0x77: {  	_ =	shalt  }
0x78: {  	_ =	shalt  }
0x79: {  	_ =	shalt  }
0x7a: {  	_ =	shalt  }
0x7b: {  	_ =	shalt  }
0x7c: {  	_ =	shalt  }
0x7d: {  	_ =	shalt  }
0x7e: {  	_ =	shalt  }
0x7f: {  	_ =	shalt  }
0x80: {  	_ =	shalt  }
0x81: {  	_ =	shalt  }
0x82: {  	_ =	shalt  }
0x83: {  	_ =	shalt  }
0x84: {  	_ =	shalt  }
0x85: {  	_ =	shalt  }
0x86: {  	_ =	shalt  }
0x87: {  	_ =	shalt  }
.Lfunc_end0:
.L_simem_size_0:
called_computation_lowered:
.L_overlay_start_0:
0x88: {  	s2 =	sld [smem:$0x3FD9]  }
0x89: {  	s3 =	sld [smem:$0x3FFE];
	_ =	sdelay $0x1  }
0x8a: {  	s1 =	srdreg.scid  }
0x8b: {  	s0 =	sand.u32 $0x1, s1  }
0x8c: {  	s17 =	sshll.u32 s0, $0xA;
	s2 =	sadd.s32 s3, s2  }
0x8d: {  	s2 =	sadd.s32 s2, s17  }
0x8e: {  	[smem:$0x3FC6] =	sst s2  }
0x8f: {  	_ = 	snop  }
0x90: {  	s2 =	sld [smem:$0x3FD0];
	(tm) =	ssettm $0x1  }
0x91: {  	s18 =	sld [smem:$0x3FFB];
	_ =	sdelay $0x3  }
0x92: {  	_ =	strace s18  }
0x93: {  	s3 =	sld [smem:$0x3FFC];
	_ =	sdelay $0x3  }
0x94: {  	_ =	strace s3  }
0x95: {  	s3 =	sld [smem:$0x3FFD];
	_ =	sdelay $0x3  }
0x96: {  	_ =	strace s3  }
0x97: {  	_ =	strace $0x8FFFFFFF  }
0x98: {  	s19 =	sld [smem:$0x3FDB];
	_ =	sdelay $0x1  }
0x99: {  	s4 =	simm.s32 $_scs_section_size  }
0x9a: {  	s5 =	simm.s32 $_size__tile_overlayer_lowered;
	s6 =	simm.s32 $_tile_overlayer_lowered  }
0x9b: {  	s22 =	simm.s32 $0x1BFF;
	s21 =	sshll.u32 s6, $0x1;
	s3 =	sadd.s32 s4, s19  }
0x9c: {  	s7 =	simm.s32 $0x0;
	s20 =	sshll.u32 s5, $0x1;
	s5 =	sadd.s32 s21, s3  }
0x9d: {  	[timem:s7], [sflag:s22] =	dma.local [hbm:s5], s20  }
0x9e: {  	_ =	swait.ge [sflag:s22], s20  }
0x9f: {  	s4 =	ssub.s32 $0x0, s20;
	[sflag:s22] =	ssyncset.done $0x0  }
0xa0: {  	[sflag:s22] =	ssyncadd.s32 s4;
	_ =	sdelay $0x1  }
0xa1: {  	s23 =	simm.s32 $0x1B8B  }
0xa2: {  	_ =	swait.ge [sflag:s23], $0x1  }
0xa3: {  	[sflag:s23] =	ssyncset.done $0x0  }
0xa4: {  	s25 =	simm.s32 $0x1B8E;
	s24 =	sld [smem:$0x3FFE];
	[sflag:s23] =	ssyncadd.s32 $0xFFFFFFFF  }
0xa5: {  	s26 =	simm.s32 $execute0_lowered;
	[smem:$0x3FD2] =	sst s25  }
0xa6: {  	s5 =	sshll.u32 s26, $0x1;
	_ =	strace $0x80000046;
	[dreg:$0x1] =	wrdreg $0xFFFFFFFF  }
0xa7: {  	s28 =	simm.s32 $_size_execute0_lowered;
	s3 =	sadd.s32 s3, s5;
	[dreg:$0x0] =	wrdreg $0x0  }
0xa8: {  	s5 =	sshll.u32 s28, $0x1;
	[dreg:$0x2] =	wrdreg s3  }
0xa9: {  	[dreg:$0x3] =	wrdreg s5  }
0xaa: {  	[dreg:$0x4] =	wrdreg $0xC0  }
0xab: {  	_ =	task [dreg:s7], $0x5FFFF  }
0xac: {  	[dreg:$0x1] =	wrdreg $0xFFFFFFFF  }
0xad: {  	[dreg:$0x0] =	wrdreg $0x60  }
0xae: {  	[dreg:$0x2] =	wrdreg s24  }
0xaf: {  	[dreg:$0x3] =	wrdreg s2  }
0xb0: {  	[dreg:$0x4] =	wrdreg $0x9  }
0xb1: {  	_ =	task.clear_ibuf [dreg:s7], $0x5FFFF;
	_ =	strace $0x90000046  }
0xb2: {  	s29 =	simm.s32 $0x9;
	_ =	strace $0x80000048  }
0xb3: {  	_ =	swait.ge [sflag:s29], $0x1  }
0xb4: {  	[sflag:s29] =	ssyncadd.s32 $0xFFFFFFFF  }
0xb5: {  	_ =	strace $0x90000048  }
0xb6: {  	_ =	sfence  }
0xb7: {  	s30 =	sld [smem:$0x0];
	_ =	sdelay $0x2  }
0xb8: {  	s31 =	sshll.u32 s1, $0xD;
	s1 =	sshrl.u32 s1, $0x2  }
0xb9: {  	s3 =	sand.u32 $0x4000, s31;
	s1 =	sadd.s32 s1, s30  }
0xba: {  	s0 =	sor.u32 s3, s0;
	s1 =	sshll.u32 s1, $0x11  }
0xbb: {  	s0 =	sor.u32 s1, s0  }
0xbc: {  	s0 =	sadd.s32 $0x8F2B, s0  }
0xbd: {  	[sflag:s0] =	ssyncadd.remote.s32 $0x1  }
0xbe: {  	_ =	sfence.sel $0xFFFF  }
0xbf: {  	[dreg:$0x0] =	wrdreg $0xFFFFFFFF;
	(pc) =	sbr.abs _section_cstart, $3  }
0xc0: {  	[dreg:$0x1] =	wrdreg $0xFFFFFFFF  }
0xc1: {  	_ =	task.clear_ibuf [dreg:s7], $0x2FFFF;
	_ =	strace $0x9FFFFFFF  }
0xc2: {  	(tm) =	ssettm $0x7FFFFFFF  }
0xc3: {  	_ =	shalt  }
tec
execute0_lowered:
.L_overlay_start_1:
0x0: {  	(tag) =	ssettag $0x1  }
0x1: {  	s0 =	rddreg [dreg:$0x0];
	s1 =	srdreg.scid  }
0x2: {  	s2 =	stileid.u32;
	s13 =	rddreg [dreg:$0x1]  }
0x3: {  	s3 =	simm.s32 $0x0;
	s1 =	sand.u32 $0x1, s1;
	s2 =	sshll.u32 s2, $0x1  }
0x4: {  	[smem:$0x7FF] =	sst s3;
	s4 =	sadd.s32 $0x400, s0;
	s2 =	sor.u32 s1, s2  }
0x5: {  	s5 =	sadd.s32 $0xFA6800, s0;
	s1 =	ssub.s32 $0x2, s1;
	s6 =	smul.u32 $0x19000, s2  }
0x6: {  	_ =	strace $0x80000047;
	s9 =	sshrl.u32 s1, $0x1;
	s16 =	smul.u32 $0x64000, s2  }
0x7: {  	s28 =	smul.u32 $0x320000, s2;
	s2 =	simm.s32 $0x0;
	s1 =	ssub.s32 s1, s9  }
0x8: {  	s9 =	sadd.s32 $0x800, s0;
	s7 =	sshrl.u32 s6, $0x2;
	s8 =	sand.u32 $0x3FC000, s6  }
0x9: {  	s10 =	sor.u32 $0x400, s6;
	s29 =	sor.u32 $0x800, s6;
	s7 =	sand.u32 $0xC00, s7  }
0xa: {  	s30 =	sor.u32 $0xC00, s6;
	s24 =	sshrl.u32 s10, $0x2;
	s7 =	sor.u32 s8, s7  }
0xb: {  	s21 =	sshll.u32 s10, $0x2;
	s11 =	sand.u32 $0xD00, s24;
	s12 =	sshrl.u32 s7, $0x3  }
0xc: {  	s10 =	simm.s32 $0x400;
	s8 =	sor.u32 s8, s11;
	s7 =	sadd.s32 s4, s12  }
0xd: {  	s11 =	sadd.s32 $0xA00, s0;
	s26 =	sadd.s32 s12, s9;
	[dreg:$0x3] =	wrdreg s7  }
0xe: {  	s31 =	sshrl.u32 s8, $0x3;
	s22 =	sadd.s32 s12, s11;
	[dreg:$0x5] =	wrdreg s26  }
0xf: {  	s17 =	sor.u32 $0x40, s12;
	s8 =	sadd.s32 s4, s31;
	[dreg:$0x10] =	wrdreg s22  }
0x10: {  	s23 =	sor.u32 $0x60, s12;
	s14 =	sadd.s32 s31, s9;
	[dreg:$0x6] =	wrdreg s8  }
0x11: {  	s7 =	sadd.s32 $0x600, s0;
	s0 =	sadd.s32 s31, s11;
	[dreg:$0x8] =	wrdreg s14  }
0x12: {  	s18 =	sadd.s32 s4, s17;
	s20 =	sadd.s32 s17, s9;
	[dreg:$0x9] =	wrdreg s0  }
0x13: {  	s24 =	sadd.s32 s4, s23;
	s26 =	sadd.s32 s23, s9;
	[dreg:$0xb] =	wrdreg s18  }
0x14: {  	s22 =	simm.s32 $0x3;
	s25 =	sadd.s32 s12, s7;
	[dreg:$0xd] =	wrdreg s20  }
0x15: {  	s15 =	sadd.s32 s31, s7;
	s8 =	sadd.s32 s13, s16;
	[dreg:$0x11] =	wrdreg s24  }
0x16: {  	s19 =	sadd.s32 s17, s7;
	s0 =	sadd.s32 s17, s11;
	[dreg:$0x13] =	wrdreg s26  }
0x17: {  	s31 =	smax.u32 s1, $0x1;
	s12 =	simm.s32 $0x500;
	[dreg:$0x4] =	wrdreg s25  }
0x18: {  	s14 =	simm.s32 $0x700;
	s17 =	simm.s32 $0x800;
	[dreg:$0x7] =	wrdreg s15  }
0x19: {  	s18 =	simm.s32 $0x1000;
	s20 =	simm.s32 $0xC00;
	[dreg:$0xc] =	wrdreg s19  }
0x1a: {  	s24 =	simm.s32 $0x5;
	s16 =	simm.s32 $0x6;
	[dreg:$0xe] =	wrdreg s0  }
0x1b: {  	s0 =	sadd.s32 s13, s21;
	s25 =	sadd.s32 s23, s7;
	[dreg:$0x15] =	wrdreg s31  }
0x1c: {  	[dreg:$0xa] =	wrdreg s8;
	s1 =	sadd.s32 $0x1000, s8;
	s8 =	simm.s32 $0x300  }
0x1d: {  	v0 =	vlaneseq.u32;
	s13 =	simm.s32 $0x600;
	s15 =	simm.s32 $0x1;
	[dreg:$0xf] =	wrdreg s0  }
0x1e: {  	v1 =	vand.u32 $0x3, v0;
	s19 =	simm.s32 $0x2;
	[dreg:$0x12] =	wrdreg s25;
	s0 =	sadd.s32 s23, s11  }
0x1f: {  	v1 =	vmul.u32 $0x100, v1;
	s21 =	simm.s32 $0x9000;
	s23 =	simm.s32 $0x4;
	[dreg:$0x14] =	wrdreg s0  }
.LBB2_1:
0x20: {  	[dreg:$0x16] =	wrdreg s2  }
0x21: {  	s0 =	rddreg [dreg:$0x3]  }
0x22: {  	[tilespmem:s3], [sflag:$0x1] =	stream.linear.gather [hbm4b:s0+s3], $0x100, $0x38;
	[tilespmem:$0x11000] =	vst v63  }
0x23: {  	s26 =	rddreg [dreg:$0x4];
	s31 =	simm.s32 $0x100  }
0x24: {  	[tilespmem:s31], [sflag:$0x1] =	stream.linear.gather [hbm4b:s26+s3], $0x100, $0x38;
	[tilespmem:$0x11000] =	vst v63  }
0x25: {  	s6 =	rddreg [dreg:$0x5];
	s25 =	simm.s32 $0x200  }
0x26: {  	[tilespmem:s25], [sflag:$0x1] =	stream.linear.gather [hbm4b:s6+s3], $0x100, $0x38;
	[tilespmem:$0x11000] =	vst v63  }
0x27: {  	s26 =	rddreg [dreg:$0x10]  }
0x28: {  	[tilespmem:s8], [sflag:$0x1] =	stream.linear.gather [hbm4b:s26+s3], $0x100, $0x38;
	[tilespmem:$0x11000] =	vst v63  }
0x29: {  	s31 =	rddreg [dreg:$0x6]  }
0x2a: {  	[tilespmem:s10], [sflag:$0x2] =	stream.linear.gather [hbm4b:s31+s3], $0x100, $0x38;
	[tilespmem:$0x11000] =	vst v63  }
0x2b: {  	s2 =	rddreg [dreg:$0x7]  }
0x2c: {  	[tilespmem:s12], [sflag:$0x2] =	stream.linear.gather [hbm4b:s2+s3], $0x100, $0x38;
	[tilespmem:$0x11000] =	vst v63  }
0x2d: {  	v2 =	vor.u32 s3, v0;
	s6 =	rddreg [dreg:$0x8]  }
0x2e: {  	v2 =	vshrl.u32 v2, $0x2;
	[tilespmem:s13], [sflag:$0x2] =	stream.linear.gather [hbm4b:s6+s3], $0x100, $0x38;
	[tilespmem:$0x11000] =	vst v63  }
0x2f: {  	v2 =	vor.u32 v1, v2;
	s25 =	rddreg [dreg:$0x9]  }
0x30: {  	[tilespmem:s14], [sflag:$0x2] =	stream.linear.gather [hbm4b:s25+s3], $0x100, $0x38;
	[tilespmem:$0x11000] =	vst v63  }
0x31: {  	_ =	swait.ge [sflag:s15], $0x400  }
0x32: {  	s26 =	simm.s32 $0x10;
	[sflag:s15] =	ssyncset.done $0x0  }
0x33: {  	v3 =	vor.u32 s26, v0;
	[sflag:s15] =	ssyncadd.s32 $0xFFFFFC00  }
0x34: {  	v3 =	vshrl.u32 v3, $0x2;
	v2 =	vld.idx.msk [tilespmem:v2+s3+$0x0], $0xffff  }
0x35: {  	v4 =	vor.u32 v1, v3;
	_ =	sdelay $0x3  }
0x36: {  	s31 =	simm.s32 $0x20;
	[tilespmem:s17+$0x0] =	vst v2  }
0x37: {  	s26 =	simm.s32 $0x30;
	v3 =	vor.u32 s31, v0;
	s25 =	simm.s32 $0x800;
	v2 =	vld.idx.msk [tilespmem:v4+s3+$0x0], $0xffff  }
.LBB2_2:
0x38: {  	p0 =	sne.s32 s26, $0x3F0;
	v3 =	vshrl.u32 v3, $0x2  }
0x39: {  	v4 =	vor.u32 v1, v3  }
.Ltmp0:
0x3a: {  	(pc) =	sbr.rel @p0 .LBB2_2-.Ltmp0, $4  }
0x3b: {  	_ = 	snop  }
0x3c: {  	s25 =	sadd.s32 $0x10, s25  }
0x3d: {  	[tilespmem:s25+$0x0] =	vst v2  }
0x3e: {  	v3 =	vor.u32 s26, v0;
	s26 =	sadd.s32 $0x10, s26;
	v2 =	vld.idx.msk [tilespmem:v4+s3+$0x0], $0xffff  }
0x3f: {  	v3 =	vshrl.u32 v3, $0x2  }
0x40: {  	v3 =	vor.u32 v1, v3;
	_ =	sdelay $0x2  }
0x41: {  	s2 =	sadd.s32 $0x10, s25  }
0x42: {  	[tilespmem:s2+$0x0] =	vst v2  }
0x43: {  	v2 =	vld.idx.msk [tilespmem:v3+s3+$0x0], $0xffff;
	_ =	sdelay $0x1  }
0x44: {  	s6 =	simm.s32 $0x0  }
0x45: {  	v3 =	vor.u32 s6, v0  }
0x46: {  	s2 =	sadd.s32 $0x10, s2;
	v3 =	vshrl.u32 v3, $0x2  }
0x47: {  	[tilespmem:s2+$0x0] =	vst v2;
	v2 =	vor.u32 v1, v3  }
0x48: {  	[tilespmem:s18], [sflag:$0x3] =	stream.indirect.gather [hbm4b:s5+s10], $0x20, s17, s10, $0xb8;
	[tilespmem:$0x11000] =	vst v63  }
0x49: {  	_ =	swait.ge [sflag:s19], $0x400  }
0x4a: {  	s26 =	simm.s32 $0x10;
	[sflag:s19] =	ssyncset.done $0x0  }
0x4b: {  	v3 =	vor.u32 s26, v0;
	[sflag:s19] =	ssyncadd.s32 $0xFFFFFC00  }
0x4c: {  	v3 =	vshrl.u32 v3, $0x2;
	v2 =	vld.idx.msk [tilespmem:v2+s10+$0x0], $0xffff  }
0x4d: {  	v4 =	vor.u32 v1, v3;
	_ =	sdelay $0x2  }
0x4e: {  	s26 =	simm.s32 $0xC00  }
0x4f: {  	s31 =	simm.s32 $0x20;
	[tilespmem:s26+$0x0] =	vst v2  }
0x50: {  	s25 =	simm.s32 $0x30;
	v3 =	vor.u32 s31, v0;
	v2 =	vld.idx.msk [tilespmem:v4+s10+$0x0], $0xffff  }
.LBB2_4:
0x51: {  	p0 =	sne.s32 s25, $0x3F0;
	v3 =	vshrl.u32 v3, $0x2  }
0x52: {  	v4 =	vor.u32 v1, v3  }
.Ltmp1:
0x53: {  	(pc) =	sbr.rel @p0 .LBB2_4-.Ltmp1, $4  }
0x54: {  	_ = 	snop  }
0x55: {  	s26 =	sadd.s32 $0x10, s26  }
0x56: {  	[tilespmem:s26+$0x0] =	vst v2  }
0x57: {  	v3 =	vor.u32 s25, v0;
	s25 =	sadd.s32 $0x10, s25;
	v2 =	vld.idx.msk [tilespmem:v4+s10+$0x0], $0xffff  }
0x58: {  	v3 =	vshrl.u32 v3, $0x2  }
0x59: {  	v3 =	vor.u32 v1, v3;
	_ =	sdelay $0x2  }
0x5a: {  	s2 =	sadd.s32 $0x10, s26  }
0x5b: {  	[tilespmem:s2+$0x0] =	vst v2  }
0x5c: {  	v2 =	vld.idx.msk [tilespmem:v3+s10+$0x0], $0xffff;
	_ =	sdelay $0x3  }
0x5d: {  	s2 =	sadd.s32 $0x10, s2  }
0x5e: {  	[tilespmem:s2+$0x0] =	vst v2  }
0x5f: {  	[tilespmem:s21], [sflag:$0x4] =	stream.indirect.gather [hbm4b:s5+s10], $0x20, s20, s10, $0xb8;
	[tilespmem:$0x11000] =	vst v63  }
0x60: {  	_ =	swait.ge [sflag:s22], $0x8000  }
0x61: {  	[sflag:s22] =	ssyncset.done $0x0  }
0x62: {  	s26 =	simm.s32 $0x0;
	s0 =	rddreg [dreg:$0xa];
	[sflag:s22] =	ssyncadd.s32 $0xFFFF8000  }
0x63: {  	[hbm4b:s0+s26] =	stream.linear.scatter [tilespmem:s18], [sflag:$0x5], $0x8000, $0x38;
	[tilespmem:$0x11000] =	vst v63  }
0x64: {  	s2 =	rddreg [dreg:$0xb]  }
0x65: {  	[tilespmem:s26], [sflag:$0x1] =	stream.linear.gather [hbm4b:s2+s26], $0x100, $0x38;
	[tilespmem:$0x11000] =	vst v63  }
0x66: {  	s25 =	simm.s32 $0x100;
	s6 =	rddreg [dreg:$0xc]  }
0x67: {  	[tilespmem:s25], [sflag:$0x1] =	stream.linear.gather [hbm4b:s6+s26], $0x100, $0x38;
	[tilespmem:$0x11000] =	vst v63  }
0x68: {  	s6 =	rddreg [dreg:$0xd];
	s25 =	simm.s32 $0x200  }
0x69: {  	[tilespmem:s25], [sflag:$0x1] =	stream.linear.gather [hbm4b:s6+s26], $0x100, $0x38;
	[tilespmem:$0x11000] =	vst v63  }
0x6a: {  	s2 =	rddreg [dreg:$0xe]  }
0x6b: {  	[tilespmem:s8], [sflag:$0x1] =	stream.linear.gather [hbm4b:s2+s26], $0x100, $0x38;
	[tilespmem:$0x11000] =	vst v63  }
0x6c: {  	_ =	swait.ge [sflag:s23], $0x8000  }
0x6d: {  	[sflag:s23] =	ssyncset.done $0x0  }
0x6e: {  	s6 =	rddreg [dreg:$0xf];
	[sflag:s23] =	ssyncadd.s32 $0xFFFF8000  }
0x6f: {  	[hbm4b:s6+s26] =	stream.linear.scatter [tilespmem:s21], [sflag:$0x6], $0x8000, $0x38;
	[tilespmem:$0x11000] =	vst v63  }
0x70: {  	s25 =	rddreg [dreg:$0x11]  }
0x71: {  	[tilespmem:s10], [sflag:$0x2] =	stream.linear.gather [hbm4b:s25+s26], $0x100, $0x38;
	[tilespmem:$0x11000] =	vst v63  }
0x72: {  	s2 =	rddreg [dreg:$0x12]  }
0x73: {  	[tilespmem:s12], [sflag:$0x2] =	stream.linear.gather [hbm4b:s2+s26], $0x100, $0x38;
	[tilespmem:$0x11000] =	vst v63  }
0x74: {  	s6 =	rddreg [dreg:$0x13]  }
0x75: {  	[tilespmem:s13], [sflag:$0x2] =	stream.linear.gather [hbm4b:s6+s26], $0x100, $0x38;
	[tilespmem:$0x11000] =	vst v63  }
0x76: {  	s31 =	simm.s32 $0x0;
	s25 =	rddreg [dreg:$0x14]  }
0x77: {  	[tilespmem:s14], [sflag:$0x2] =	stream.linear.gather [hbm4b:s25+s26], $0x100, $0x38;
	[tilespmem:$0x11000] =	vst v63  }
.LBB2_6:
0x78: {  	v2 =	vor.u32 s26, v0  }
0x79: {  	v2 =	vshrl.u32 v2, $0x2  }
0x7a: {  	v2 =	vor.u32 v1, v2;
	_ =	sdelay $0x1  }
0x7b: {  	_ =	swait.ge [sflag:s15], $0x400  }
0x7c: {  	s2 =	simm.s32 $0x10;
	[sflag:s15] =	ssyncset.done $0x0  }
0x7d: {  	v3 =	vor.u32 s2, v0;
	[sflag:s15] =	ssyncadd.s32 $0xFFFFFC00  }
0x7e: {  	v3 =	vshrl.u32 v3, $0x2;
	v2 =	vld.idx.msk [tilespmem:v2+s3+$0x0], $0xffff  }
0x7f: {  	v4 =	vor.u32 v1, v3;
	_ =	sdelay $0x2  }
0x80: {  	s25 =	simm.s32 $0x800  }
0x81: {  	s6 =	simm.s32 $0x20;
	[tilespmem:s25+$0x0] =	vst v2  }
0x82: {  	s2 =	simm.s32 $0x30;
	v3 =	vor.u32 s6, v0;
	v2 =	vld.idx.msk [tilespmem:v4+s3+$0x0], $0xffff  }
.LBB2_7:
0x83: {  	p0 =	sne.s32 s2, $0x3F0;
	v3 =	vshrl.u32 v3, $0x2  }
0x84: {  	v4 =	vor.u32 v1, v3  }
.Ltmp2:
0x85: {  	(pc) =	sbr.rel @p0 .LBB2_7-.Ltmp2, $4  }
0x86: {  	_ = 	snop  }
0x87: {  	s25 =	sadd.s32 $0x10, s25  }
0x88: {  	[tilespmem:s25+$0x0] =	vst v2  }
0x89: {  	v3 =	vor.u32 s2, v0;
	s2 =	sadd.s32 $0x10, s2;
	v2 =	vld.idx.msk [tilespmem:v4+s3+$0x0], $0xffff  }
0x8a: {  	v3 =	vshrl.u32 v3, $0x2  }
0x8b: {  	v3 =	vor.u32 v1, v3;
	_ =	sdelay $0x2  }
0x8c: {  	s2 =	sadd.s32 $0x10, s25  }
0x8d: {  	[tilespmem:s2+$0x0] =	vst v2  }
0x8e: {  	v2 =	vld.idx.msk [tilespmem:v3+s3+$0x0], $0xffff;
	_ =	sdelay $0x3  }
0x8f: {  	s2 =	sadd.s32 $0x10, s2  }
0x90: {  	s25 =	simm.s32 $0x0;
	[tilespmem:s2+$0x0] =	vst v2  }
0x91: {  	v2 =	vor.u32 s25, v0;
	_ =	swait.ge [sflag:s24], $0x8000  }
0x92: {  	v2 =	vshrl.u32 v2, $0x2;
	[sflag:s24] =	ssyncset.done $0x0  }
0x93: {  	v2 =	vor.u32 v1, v2;
	[sflag:s24] =	ssyncadd.s32 $0xFFFF8000  }
0x94: {  	[tilespmem:s18], [sflag:$0x3] =	stream.indirect.gather [hbm4b:s5+s10], $0x20, s17, s10, $0xb8;
	[tilespmem:$0x11000] =	vst v63  }
0x95: {  	_ =	swait.ge [sflag:s19], $0x400  }
0x96: {  	s0 =	simm.s32 $0x10;
	[sflag:s19] =	ssyncset.done $0x0  }
0x97: {  	v3 =	vor.u32 s0, v0;
	[sflag:s19] =	ssyncadd.s32 $0xFFFFFC00  }
0x98: {  	v3 =	vshrl.u32 v3, $0x2;
	v2 =	vld.idx.msk [tilespmem:v2+s10+$0x0], $0xffff  }
0x99: {  	v4 =	vor.u32 v1, v3;
	_ =	sdelay $0x2  }
0x9a: {  	s25 =	simm.s32 $0xC00  }
0x9b: {  	s6 =	simm.s32 $0x20;
	[tilespmem:s25+$0x0] =	vst v2  }
0x9c: {  	v3 =	vor.u32 s6, v0;
	s2 =	simm.s32 $0x30;
	v2 =	vld.idx.msk [tilespmem:v4+s10+$0x0], $0xffff  }
.LBB2_9:
0x9d: {  	p0 =	sne.s32 s2, $0x3F0;
	v3 =	vshrl.u32 v3, $0x2  }
0x9e: {  	v4 =	vor.u32 v1, v3  }
.Ltmp3:
0x9f: {  	(pc) =	sbr.rel @p0 .LBB2_9-.Ltmp3, $4  }
0xa0: {  	_ = 	snop  }
0xa1: {  	s25 =	sadd.s32 $0x10, s25  }
0xa2: {  	[tilespmem:s25+$0x0] =	vst v2  }
0xa3: {  	v3 =	vor.u32 s2, v0;
	s2 =	sadd.s32 $0x10, s2;
	v2 =	vld.idx.msk [tilespmem:v4+s10+$0x0], $0xffff  }
0xa4: {  	v3 =	vshrl.u32 v3, $0x2  }
0xa5: {  	v3 =	vor.u32 v1, v3;
	_ =	sdelay $0x2  }
0xa6: {  	s2 =	sadd.s32 $0x10, s25  }
0xa7: {  	[tilespmem:s2+$0x0] =	vst v2  }
0xa8: {  	v2 =	vld.idx.msk [tilespmem:v3+s10+$0x0], $0xffff;
	_ =	sdelay $0x3  }
0xa9: {  	s2 =	sadd.s32 $0x10, s2  }
0xaa: {  	[tilespmem:s2+$0x0] =	vst v2  }
0xab: {  	_ =	swait.ge [sflag:s16], $0x8000  }
0xac: {  	[sflag:s16] =	ssyncset.done $0x0  }
0xad: {  	[sflag:s16] =	ssyncadd.s32 $0xFFFF8000  }
0xae: {  	[tilespmem:s21], [sflag:$0x4] =	stream.indirect.gather [hbm4b:s5+s10], $0x20, s20, s10, $0xb8;
	[tilespmem:$0x11000] =	vst v63  }
0xaf: {  	s31 =	sadd.s32 $0x1, s31;
	_ =	swait.ge [sflag:s22], $0x8000  }
0xb0: {  	s25 =	sshll.u32 s31, $0x10;
	[sflag:s22] =	ssyncset.done $0x0  }
0xb1: {  	s2 =	sadd.s32 s28, s25;
	[sflag:s22] =	ssyncadd.s32 $0xFFFF8000  }
0xb2: {  	s25 =	sshll.u32 s31, $0x1;
	s2 =	sshrl.u32 s2, $0x3;
	s0 =	rddreg [dreg:$0x1]  }
0xb3: {  	s2 =	sadd.s32 s0, s2;
	s0 =	smin.u32 s25, $0x61  }
0xb4: {  	[hbm4b:s2+s3] =	stream.linear.scatter [tilespmem:s18], [sflag:$0x5], $0x8000, $0x38;
	[tilespmem:$0x11000] =	vst v63  }
0xb5: {  	s2 =	sshll.u32 s0, $0xA  }
0xb6: {  	s2 =	sadd.s32 s2, s29  }
0xb7: {  	s6 =	sshrl.u32 s2, $0x2  }
0xb8: {  	s2 =	sand.u32 $0x7FC000, s2;
	s0 =	sand.u32 $0xF00, s6  }
0xb9: {  	s0 =	sor.u32 s2, s0  }
0xba: {  	s0 =	sshrl.u32 s0, $0x3  }
0xbb: {  	s6 =	sadd.s32 s4, s0  }
0xbc: {  	[tilespmem:s3], [sflag:$0x1] =	stream.linear.gather [hbm4b:s6+s3], $0x100, $0x38;
	[tilespmem:$0x11000] =	vst v63  }
0xbd: {  	s2 =	sadd.s32 s0, s7;
	s6 =	simm.s32 $0x100  }
0xbe: {  	[tilespmem:s6], [sflag:$0x1] =	stream.linear.gather [hbm4b:s2+s3], $0x100, $0x38;
	[tilespmem:$0x11000] =	vst v63  }
0xbf: {  	s2 =	sadd.s32 s0, s9;
	s6 =	simm.s32 $0x200  }
0xc0: {  	[tilespmem:s6], [sflag:$0x1] =	stream.linear.gather [hbm4b:s2+s3], $0x100, $0x38;
	[tilespmem:$0x11000] =	vst v63  }
0xc1: {  	s0 =	sadd.s32 s0, s11  }
0xc2: {  	[tilespmem:s8], [sflag:$0x1] =	stream.linear.gather [hbm4b:s0+s3], $0x100, $0x38;
	[tilespmem:$0x11000] =	vst v63  }
0xc3: {  	_ =	swait.ge [sflag:s23], $0x8000  }
0xc4: {  	s6 =	sshll.u32 s31, $0xD;
	[sflag:s23] =	ssyncset.done $0x0  }
0xc5: {  	s2 =	smin.u32 s25, $0x60;
	s0 =	sadd.s32 s1, s6;
	[sflag:s23] =	ssyncadd.s32 $0xFFFF8000  }
0xc6: {  	[hbm4b:s0+s3] =	stream.linear.scatter [tilespmem:s21], [sflag:$0x6], $0x8000, $0x38;
	[tilespmem:$0x11000] =	vst v63  }
0xc7: {  	s0 =	sshll.u32 s2, $0xA  }
0xc8: {  	s0 =	sadd.s32 s0, s30  }
0xc9: {  	s6 =	sshrl.u32 s0, $0x2  }
0xca: {  	s0 =	sand.u32 $0x7FC000, s0;
	s2 =	sand.u32 $0xF00, s6  }
0xcb: {  	s0 =	sor.u32 s0, s2  }
0xcc: {  	s0 =	sshrl.u32 s0, $0x3  }
0xcd: {  	s25 =	sadd.s32 s4, s0  }
0xce: {  	[tilespmem:s10], [sflag:$0x2] =	stream.linear.gather [hbm4b:s25+s3], $0x100, $0x38;
	[tilespmem:$0x11000] =	vst v63  }
0xcf: {  	p0 =	sne.s32 s31, $0x31;
	s6 =	sadd.s32 s0, s7  }
0xd0: {  	[tilespmem:s12], [sflag:$0x2] =	stream.linear.gather [hbm4b:s6+s3], $0x100, $0x38;
	[tilespmem:$0x11000] =	vst v63  }
.Ltmp4:
0xd1: {  	_ = 	snop;
	(pc) =	sbr.rel @p0 .LBB2_6-.Ltmp4, $4  }
0xd2: {  	s25 =	sadd.s32 s0, s9  }
0xd3: {  	[tilespmem:s13], [sflag:$0x2] =	stream.linear.gather [hbm4b:s25+s3], $0x100, $0x38;
	[tilespmem:$0x11000] =	vst v63  }
0xd4: {  	s0 =	sadd.s32 s0, s11  }
0xd5: {  	[tilespmem:s14], [sflag:$0x2] =	stream.linear.gather [hbm4b:s0+s3], $0x100, $0x38;
	[tilespmem:$0x11000] =	vst v63  }
0xd6: {  	_ =	swait.ge [sflag:s15], $0x400  }
0xd7: {  	[sflag:s15] =	ssyncset.done $0x0  }
0xd8: {  	[sflag:s15] =	ssyncadd.s32 $0xFFFFFC00  }
0xd9: {  	_ =	swait.ge [sflag:s19], $0x400  }
0xda: {  	[sflag:s19] =	ssyncset.done $0x0  }
0xdb: {  	[sflag:s19] =	ssyncadd.s32 $0xFFFFFC00  }
0xdc: {  	_ =	swait.ge [sflag:s24], $0x8000  }
0xdd: {  	[sflag:s24] =	ssyncset.done $0x0  }
0xde: {  	[sflag:s24] =	ssyncadd.s32 $0xFFFF8000  }
0xdf: {  	_ =	swait.ge [sflag:s16], $0x8000  }
0xe0: {  	s2 =	rddreg [dreg:$0x16]  }
0xe1: {  	s0 =	rddreg [dreg:$0x15];
	s2 =	sadd.s32 $0x1, s2  }
0xe2: {  	p0 =	sne.s32 s2, s0  }
.Ltmp5:
0xe3: {  	_ = 	snop;
	(pc) =	sbr.rel @p0 .LBB2_1-.Ltmp5, $3  }
0xe4: {  	_ =	sdelay $0x1  }
0xe5: {  	[sflag:s16] =	ssyncset.done $0x0  }
0xe6: {  	[sflag:s16] =	ssyncadd.s32 $0xFFFF8000  }
0xe7: {  	_ =	sfence.sel $0x180000  }
0xe8: {  	[bflag:$0x0] =	sbarrier.arrive $0xFFFF  }
0xe9: {  	_ =	strace $0x90000047  }
0xea: {  	s0 =	stileid.u32;
	[bflag:$0x2] =	sbarrier.arrive $0xFFFF  }
0xeb: {  	p0 =	sne.s32 s0, $0x0;
	s0 =	rddreg [dreg:$0x2]  }
0xec: {  	s0 =	sadd.s32 @!p0 $0x100000, s0  }
0xed: {  	[sflag:s0] =	ssyncadd.tile.s32 @!p0 $0x1;
	_ =	shalt  }
.Lfunc_end2:
_tile_overlayer_lowered:
.L_overlay_start_2:
0xee: {  	(tag) =	ssettag $0x2  }
0xef: {  	s0 =	rddreg [dreg:$0x0];
	s2 =	stileid.u32  }
0xf0: {  	s1 =	rddreg [dreg:$0x1];
	p0 =	sne.s32 s2, $0x0  }
0xf1: {  	s3 =	rddreg [dreg:$0x2];
	[bflag:$0x3] =	sbarrier.arrive $0xFFFF;
	s2 =	simm.s32 @!p0 $0x1C07  }
0xf2: {  	[timem:s3], [sflag:s2] =	dma.local @!p0 [hbm:s0], s1  }
0xf3: {  	s0 =	simm.s32 @!p0 $0x7  }
0xf4: {  	_ =	swait.ge @!p0 [sflag:s0], s1  }
0xf5: {  	s1 =	ssub.s32 @!p0 $0x0, s1;
	[sflag:s0] =	ssyncset.done @!p0 $0x0  }
0xf6: {  	[sflag:s0] =	ssyncadd.s32 @!p0 s1  }
0xf7: {  	[bflag:$0x3] =	sbarrier.arrive $0xFFFF  }
0xf8: {  	_ =	shalt  }

</sc_bundles>
